<compile_context>
chip_gen: v7x
topology: tpu7x:2x2x1
jax: 0.10.2.dev20260603
libtpu: 0.0.44.dev20260713+nightly
codegen_flags: <defaults>
</compile_context>

<pallas_src>
import functools

import jax
import jax.numpy as jnp
from jax import lax
from jax.experimental import pallas as pl
from jax.experimental.pallas import tpu as pltpu
from jax.experimental.pallas import tpu_sc as plsc

_NC = 2
_NS = 16
_NW = _NC * _NS
_CHUNK = 128
_NBUF = 4


def _idx_block(idx_hbm, idx_v, w, k0):
    c0 = w * k0
    a = (c0 // 8) * 8
    pltpu.sync_copy(idx_hbm.at[pl.ds(a, idx_v.shape[0])], idx_v)
    return c0, c0 - a


def _make_sc_gather(n_chunks, d):
    assert n_chunks % _NW == 0
    k0 = n_chunks // _NW
    kb = (k0 // 8 + 2) * 8
    mesh = plsc.VectorSubcoreMesh(core_axis_name="c", subcore_axis_name="s")

    @functools.partial(
        pl.kernel,
        mesh=mesh,
        out_type=jax.ShapeDtypeStruct((n_chunks * _CHUNK, d), jnp.float32),
        scratch_types=[
            pltpu.VMEM((kb, _CHUNK), jnp.int32),
            pltpu.VMEM((_NBUF, _CHUNK, d), jnp.float32),
            pltpu.SemaphoreType.DMA,
        ],
    )
    def gather(table_hbm, idx_hbm, out_hbm, idx_v, rows_v, sem):
        w = lax.axis_index("s") * _NC + lax.axis_index("c")
        c0, dlt = _idx_block(idx_hbm, idx_v, w, k0)

        for jj in range(_NBUF - 1):
            pltpu.async_copy(table_hbm.at[idx_v.at[dlt + jj]], rows_v.at[jj], sem)

        def body(j, carry):
            ja = j + _NBUF - 1

            @pl.when(ja < k0)
            def _():
                pltpu.async_copy(
                    table_hbm.at[idx_v.at[dlt + ja]], rows_v.at[ja % _NBUF], sem)

            pltpu.make_async_copy(
                table_hbm.at[idx_v.at[dlt + j]], rows_v.at[j % _NBUF], sem).wait()
            pltpu.sync_copy(rows_v.at[j % _NBUF],
                            out_hbm.at[pl.ds((c0 + j) * _CHUNK, _CHUNK)])
            return carry

        lax.fori_loop(0, k0, body, 0)

    return gather


def _make_sc_scatter2(n_chunks, d, hr):
    k0 = (n_chunks + _NW - 1) // _NW
    kb = (k0 // 8 + 2) * 8
    cb = hr // _CHUNK
    la = hr - cb * _CHUNK
    assert 0 < la < _CHUNK and la % 8 == 0
    wb, jb = cb // k0, cb % k0
    mesh = plsc.VectorSubcoreMesh(core_axis_name="c", subcore_axis_name="s")

    @functools.partial(
        pl.kernel,
        mesh=mesh,
        out_type=jax.ShapeDtypeStruct((n_chunks * _CHUNK, d), jnp.float32),
        scratch_types=[
            pltpu.VMEM((kb, _CHUNK), jnp.int32),
            pltpu.VMEM((_NBUF, _CHUNK, d), jnp.float32),
            pltpu.SemaphoreType.DMA,
        ],
    )
    def scatter(vals_a, vals_b, idx_hbm, out_hbm, idx_v, rows_v, sem):
        w = lax.axis_index("s") * _NC + lax.axis_index("c")
        c0, dlt = _idx_block(idx_hbm, idx_v, w, k0)

        def issue(cc, buf, pred):
            @pl.when((cc < cb) & pred)
            def _():
                pltpu.async_copy(
                    vals_a.at[pl.ds(cc * _CHUNK, _CHUNK)], rows_v.at[buf], sem)

            @pl.when((cc > cb) & (cc < n_chunks) & pred)
            def _():
                pltpu.async_copy(
                    vals_b.at[pl.ds(cc * _CHUNK - hr, _CHUNK)],
                    rows_v.at[buf], sem)

        for jj in range(_NBUF - 1):
            issue(c0 + jj, jj, jj < k0)

        def body(j, carry):
            c = c0 + j
            ja = j + _NBUF - 1
            issue(c0 + ja, ja % _NBUF, ja < k0)

            @pl.when((c < n_chunks) & (c != cb))
            def _():
                pltpu.make_async_copy(
                    vals_a.at[pl.ds(0, _CHUNK)], rows_v.at[j % _NBUF], sem).wait()
                pltpu.sync_copy(rows_v.at[j % _NBUF], out_hbm.at[idx_v.at[dlt + j]])

            return carry

        lax.fori_loop(0, k0, body, 0)

        @pl.when(w == wb)
        def _():
            pltpu.sync_copy(vals_a.at[pl.ds(cb * _CHUNK, la)],
                            rows_v.at[0, pl.ds(0, la)])
            pltpu.sync_copy(vals_b.at[pl.ds(0, _CHUNK - la)],
                            rows_v.at[0, pl.ds(la, _CHUNK - la)])
            pltpu.sync_copy(rows_v.at[0], out_hbm.at[idx_v.at[dlt + jb]])

    return scatter


def _make_tc_body(T, D):
    def body(xp_ref, w1a_ref, w1b_ref, w2_ref, b1_ref, b2_ref,
             u1a_ref, u1b_ref, u2_ref, ub1_ref, ub2_ref,
             g_ref, beta_ref, out_ref):
        t = pl.program_id(1)
        f32 = jnp.float32
        bf16 = jnp.bfloat16

        def silu(x):
            one = jnp.asarray(1.0, x.dtype)
            c = jnp.asarray(-1.4426950408889634, x.dtype)
            return x / (one + jnp.exp2(x * c))

        A = xp_ref[0, pl.ds(t * T, T + 2), :]
        xc = A[1:T + 1]
        xcb = xc.astype(bf16)
        g_h = jnp.dot(A.astype(bf16), w1b_ref[...], preferred_element_type=f32)
        fb = (jnp.dot(xcb, w1a_ref[...], preferred_element_type=f32)
              + b1_ref[0])
        yp = (fb + g_h[0:T]).astype(bf16)
        yn = (fb + g_h[2:T + 2]).astype(bf16)
        s = silu(yp) + silu(yn)
        msg = (jnp.dot(s, w2_ref[...], preferred_element_type=f32)
               + 2.0 * b2_ref[0])
        u = (jnp.dot(xcb, u1a_ref[...], preferred_element_type=f32)
             + jnp.dot(msg.astype(bf16), u1b_ref[...], preferred_element_type=f32)
             + ub1_ref[0])
        u = silu(u.astype(bf16))
        upd = (jnp.dot(u, u2_ref[...], preferred_element_type=f32)
               + ub2_ref[0])
        r = xc + upd
        mu = jnp.mean(r, axis=-1, keepdims=True)
        var = jnp.mean((r - mu) ** 2, axis=-1, keepdims=True)
        out_ref[0] = (r - mu) * lax.rsqrt(var + 1e-5) * g_ref[0] + beta_ref[0]

    return body


def _tc_compute(xp, weights, B, N, D, T):
    NT = N // T
    P = xp.shape[1]
    (w1a, w1b, w2, b1, b2, u1a, u1b, u2, ub1, ub2, g, beta) = weights

    def wspec(shape):
        return pl.BlockSpec(shape, lambda b, t: (0,) * len(shape))

    return pl.pallas_call(
        _make_tc_body(T, D),
        grid=(B, NT),
        in_specs=[
            pl.BlockSpec((1, P, D), lambda b, t: (b, 0, 0)),
            wspec((D, D)), wspec((D, D)), wspec((D, D)),
            wspec((1, D)), wspec((1, D)),
            wspec((D, D)), wspec((D, D)), wspec((D, D)),
            wspec((1, D)), wspec((1, D)),
            wspec((1, D)), wspec((1, D)),
        ],
        out_specs=pl.BlockSpec((1, T, D), lambda b, t: (b, t, 0)),
        out_shape=jax.ShapeDtypeStruct((B, N, D), jnp.float32),
        compiler_params=pltpu.CompilerParams(
            dimension_semantics=("arbitrary", "arbitrary"),
        ),
    )(xp, w1a, w1b, w2, b1, b2, u1a, u1b, u2, ub1, ub2, g, beta)


def kernel(h, tour, msg_w1, msg_b1, msg_w2, msg_b2,
           upd_w1, upd_b1, upd_w2, upd_b2, ln_g, ln_b):
    B, N, D = h.shape
    T = 2000
    P = 10240

    H = B // 2
    base = (jnp.arange(B, dtype=jnp.int32) * N)[:, None]
    ext = jnp.concatenate(
        [tour[:, -1:], tour, tour[:, :1],
         jnp.zeros((B, P - N - 2), jnp.int32)], axis=1) + base
    h_flat = h.reshape(B * N, D)

    nch = (H * P) // _CHUNK
    gather = _make_sc_gather(nch, D)

    def half_idx(e):
        g = jnp.concatenate([e.reshape(-1), jnp.zeros((8 * _CHUNK,), jnp.int32)])
        return g.reshape(nch + 8, _CHUNK)

    xp_a = gather(h_flat, half_idx(ext[:H])).reshape(H, P, D)
    xp_b = gather(h_flat, half_idx(ext[H:])).reshape(H, P, D)

    bf16 = jnp.bfloat16
    weights = (
        msg_w1[:D].astype(bf16), msg_w1[D:].astype(bf16), msg_w2.astype(bf16),
        msg_b1.reshape(1, D), msg_b2.reshape(1, D),
        upd_w1[:D].astype(bf16), upd_w1[D:].astype(bf16), upd_w2.astype(bf16),
        upd_b1.reshape(1, D), upd_b2.reshape(1, D),
        ln_g.reshape(1, D), ln_b.reshape(1, D),
    )
    hn_a = _tc_compute(xp_a, weights, H, N, D, T).reshape(H * N, D)
    hn_b = _tc_compute(xp_b, weights, H, N, D, T).reshape(H * N, D)

    ncs = (B * N) // _CHUNK
    flat_tour = (tour + base).reshape(-1)
    k0 = (ncs + _NW - 1) // _NW
    pad_rows = _NW * k0 + 8 - ncs
    sidx = jnp.concatenate([flat_tour, flat_tour[:pad_rows * _CHUNK]])
    h_new_flat = _make_sc_scatter2(ncs, D, H * N)(
        hn_a, hn_b, sidx.reshape(ncs + pad_rows, _CHUNK))
    return h_new_flat.reshape(B, N, D)

# --- scband reference (transcript-rebuilt; emitter-appended) ---
"""Pipeline reference for scband-gnnlayer-26139170964197 (READ-ONLY COPY).

The authoritative reference and input builder live on the scoring server;
editing this copy changes nothing except your own understanding.
"""

import jax, jax.numpy as jnp
import numpy as np

B, N, D = 8, 10000, 128

def setup_inputs(seed: int = 0):
    key = jax.random.key(seed)
    ks = jax.random.split(key, 8)
    h = jax.random.normal(ks[0], (B, N, D), dtype=jnp.float32)
    # tour must be a valid permutation of [0, N) per batch row
    tour = jnp.argsort(jax.random.uniform(ks[1], (B, N)), axis=1).astype(jnp.int32)
    s_in = np.float32(1.0 / np.sqrt(2 * D))
    s_hid = np.float32(1.0 / np.sqrt(D))
    msg_w1 = jax.random.normal(ks[2], (2 * D, D), dtype=jnp.float32) * s_in
    msg_b1 = jnp.zeros((D,), dtype=jnp.float32)
    msg_w2 = jax.random.normal(ks[3], (D, D), dtype=jnp.float32) * s_hid
    msg_b2 = jnp.zeros((D,), dtype=jnp.float32)
    upd_w1 = jax.random.normal(ks[4], (2 * D, D), dtype=jnp.float32) * s_in
    upd_b1 = jnp.zeros((D,), dtype=jnp.float32)
    upd_w2 = jax.random.normal(ks[5], (D, D), dtype=jnp.float32) * s_hid
    upd_b2 = jnp.zeros((D,), dtype=jnp.float32)
    ln_g = jnp.ones((D,), dtype=jnp.float32)
    ln_b = jnp.zeros((D,), dtype=jnp.float32)
    return {"h": h, "tour": tour, "msg_w1": msg_w1, "msg_b1": msg_b1, "msg_w2": msg_w2, "msg_b2": msg_b2, "upd_w1": upd_w1, "upd_b1": upd_b1, "upd_w2": upd_w2, "upd_b2": upd_b2, "ln_g": ln_g, "ln_b": ln_b}

def _mlp(x, w1, b1, w2, b2):
    y = x @ w1 + b1
    y = y * jax.nn.sigmoid(y)  # SiLU
    return y @ w2 + b2

def _layernorm(x, g, b, eps=1e-5):
    mu = jnp.mean(x, axis=-1, keepdims=True)
    var = jnp.mean((x - mu) ** 2, axis=-1, keepdims=True)
    return (x - mu) / jnp.sqrt(var + eps) * g + b

def reference(h, tour, msg_w1, msg_b1, msg_w2, msg_b2, upd_w1, upd_b1, upd_w2, upd_b2, ln_g, ln_b):
    Bq, Nq, Dq = h.shape
    idx = jnp.broadcast_to(tour[:, :, None], (Bq, Nq, Dq))
    h_pos = jnp.take_along_axis(h, idx, axis=1)
    h_prev = jnp.roll(h_pos, 1, axis=1)
    h_next = jnp.roll(h_pos, -1, axis=1)
    msg_prev = _mlp(jnp.concatenate([h_pos, h_prev], axis=-1), msg_w1, msg_b1, msg_w2, msg_b2)
    msg_next = _mlp(jnp.concatenate([h_pos, h_next], axis=-1), msg_w1, msg_b1, msg_w2, msg_b2)
    msg = msg_prev + msg_next
    h_new_pos = _mlp(jnp.concatenate([h_pos, msg], axis=-1), upd_w1, upd_b1, upd_w2, upd_b2)
    h_new_pos = _layernorm(h_pos + h_new_pos, ln_g, ln_b)
    brow = jnp.arange(Bq)[:, None]
    h_new = jnp.zeros_like(h).at[brow, tour].set(h_new_pos)
    return h_new

if __name__ == "__main__":
    import jax
    _d = setup_inputs()
    print(jax.jit(kernel)(*tuple(_d.values())))

</pallas_src>

<mosaic_0001>
#map = affine_map<(d0, d1) -> (0, 0)>
module attributes {stable_mosaic.version = 14 : i64} {
  func.func @gather(%arg0: i32, %arg1: i32, %arg2: memref<80000x128xf32, #tpu.memory_space<hbm>>, %arg3: memref<328x128xi32, #tpu.memory_space<hbm>>, %arg4: memref<40960x128xf32, #tpu.memory_space<hbm>>, %arg5: memref<24x128xi32, #tpu.memory_space<vmem>>, %arg6: memref<4x128x128xf32, #tpu.memory_space<vmem>>, %arg7: memref<!tpu.dma_semaphore, #tpu.memory_space<semaphore_mem>>) attributes {dimension_semantics = [#tpu.dimension_semantics<core_parallel>, #tpu.dimension_semantics<subcore_parallel>], iteration_bounds = array<i64: 2, 16>, scalar_prefetch = 0 : i64, scratch_operands = 3 : i64, tpu.core_type = #tpu.core_type<sc_vector_subcore>, window_params = [{transform_indices = #map}, {transform_indices = #map}, {transform_indices = #map}]} {
    %mul3A = arith.constant 2 : i32
    %mul3A_0 = arith.muli %arg1, %mul3A : i32
    %add3A = arith.addi %mul3A_0, %arg0 : i32
    %mul3A_1 = arith.constant 10 : i32
    %mul3A_2 = arith.muli %add3A, %mul3A_1 : i32
    %jit3A = arith.constant 8 : i32
    %div3A = arith.divsi %mul3A_2, %jit3A : i32
    %sign3A = arith.constant 0 : i32
    %sign3A_3 = arith.cmpi sgt, %mul3A_2, %sign3A : i32
    %sign3A_4 = arith.extui %sign3A_3 : i1 to i32
    %sign3A_5 = arith.constant 0 : i32
    %sign3A_6 = arith.cmpi slt, %mul3A_2, %sign3A_5 : i32
    %sign3A_7 = arith.extui %sign3A_6 : i1 to i32
    %sign3A_8 = arith.subi %sign3A_4, %sign3A_7 : i32
    %sign3A_9 = arith.constant 0 : i32
    %sign3A_10 = arith.cmpi sgt, %jit3A, %sign3A_9 : i32
    %sign3A_11 = arith.extui %sign3A_10 : i1 to i32
    %sign3A_12 = arith.constant 0 : i32
    %sign3A_13 = arith.cmpi slt, %jit3A, %sign3A_12 : i32
    %sign3A_14 = arith.extui %sign3A_13 : i1 to i32
    %sign3A_15 = arith.subi %sign3A_11, %sign3A_14 : i32
    %ne3A = arith.cmpi ne, %sign3A_8, %sign3A_15 : i32
    %rem3A = arith.remsi %mul3A_2, %jit3A : i32
    %ne3A_16 = arith.constant 0 : i32
    %ne3A_17 = arith.cmpi ne, %rem3A, %ne3A_16 : i32
    %and3A = arith.andi %ne3A, %ne3A_17 : i1
    %sub3A = arith.constant 1 : i32
    %sub3A_18 = arith.subi %div3A, %sub3A : i32
    %select_n3A = arith.select %and3A, %sub3A_18, %div3A : i32
    %mul3A_19 = arith.constant 8 : i32
    %mul3A_20 = arith.muli %select_n3A, %mul3A_19 : i32
    "tpu.region"() ({
      %run_scoped3A = tpu.sem_alloc : memref<!tpu.dma_semaphore, #tpu.memory_space<semaphore_mem>>
      %dma_start3A_65 = arith.constant 0 : i32
      %dma_start3A_66 = tpu.memref_slice %arg3[%mul3A_20, %dma_start3A_65] : memref<328x128xi32, #tpu.memory_space<hbm>> -> memref<24x128xi32, #tpu.memory_space<hbm>>
      %dma_start3A_67 = arith.constant 0 : i32
      %dma_start3A_68 = tpu.memref_slice %arg3[%mul3A_20, %dma_start3A_67] : memref<328x128xi32, #tpu.memory_space<hbm>> -> memref<24x128xi32, #tpu.memory_space<hbm>>
      tpu.enqueue_dma source(%dma_start3A_68 : memref<24x128xi32, #tpu.memory_space<hbm>>) target(%arg5 : memref<24x128xi32, #tpu.memory_space<vmem>>) target_semaphore(%run_scoped3A : memref<!tpu.dma_semaphore, #tpu.memory_space<semaphore_mem>>)
      %dma_wait3A = arith.constant 0 : i32
      %dma_wait3A_69 = tpu.memref_slice %arg3[%mul3A_20, %dma_wait3A] : memref<328x128xi32, #tpu.memory_space<hbm>> -> memref<24x128xi32, #tpu.memory_space<hbm>>
      %dma_wait3A_70 = arith.constant 0 : i32
      %dma_wait3A_71 = tpu.memref_slice %arg3[%mul3A_20, %dma_wait3A_70] : memref<328x128xi32, #tpu.memory_space<hbm>> -> memref<24x128xi32, #tpu.memory_space<hbm>>
      tpu.wait_dma2 semaphore(%run_scoped3A : memref<!tpu.dma_semaphore, #tpu.memory_space<semaphore_mem>>) src(%dma_wait3A_71 : memref<24x128xi32, #tpu.memory_space<hbm>>) dst(%arg5 : memref<24x128xi32, #tpu.memory_space<vmem>>)
      tpu.yield
    }) : () -> ()
    %sub3A_21 = arith.subi %mul3A_2, %mul3A_20 : i32
    %add3A_22 = arith.constant 0 : i32
    %add3A_23 = arith.addi %sub3A_21, %add3A_22 : i32
    %dma_start3A = arith.constant 0 : i32
    %dma_start3A_24 = arith.constant 0 : i32
    %dma_start3A_25 = arith.constant 0 : i32
    %dma_start3A_26 = tpu.memref_slice %arg6[%dma_start3A, %dma_start3A_24, %dma_start3A_25] : memref<4x128x128xf32, #tpu.memory_space<vmem>> -> memref<1x128x128xf32, #tpu.memory_space<vmem>>
    %dma_start3A_27 = tpu.memref_squeeze %dma_start3A_26 : memref<1x128x128xf32, #tpu.memory_space<vmem>> -> memref<128x128xf32, #tpu.memory_space<vmem>>
    %dma_start3A_28 = arith.constant 0 : i32
    %dma_start3A_29 = tpu.memref_slice %arg5[%add3A_23, %dma_start3A_28] : memref<24x128xi32, #tpu.memory_space<vmem>> -> memref<1x128xi32, #tpu.memory_space<vmem>>
    %dma_start3A_30 = tpu.memref_squeeze %dma_start3A_29 : memref<1x128xi32, #tpu.memory_space<vmem>> -> memref<128xi32, #tpu.memory_space<vmem>>
    %dma_start3A_31 = arith.constant 0 : i32
    %dma_start3A_32 = arith.constant 0 : i32
    %dma_start3A_33 = tpu.memref_slice %arg2[%dma_start3A_31, %dma_start3A_32] : memref<80000x128xf32, #tpu.memory_space<hbm>> -> memref<80000x128xf32, #tpu.memory_space<hbm>>
    tpu.enqueue_indirect_dma source(%dma_start3A_33 : memref<80000x128xf32, #tpu.memory_space<hbm>>) target(%dma_start3A_27 : memref<128x128xf32, #tpu.memory_space<vmem>>) offsets(%dma_start3A_30 : memref<128xi32, #tpu.memory_space<vmem>>) semaphore(%arg7 : memref<!tpu.dma_semaphore, #tpu.memory_space<semaphore_mem>>)
    %add3A_34 = arith.constant 1 : i32
    %add3A_35 = arith.addi %sub3A_21, %add3A_34 : i32
    %dma_start3A_36 = arith.constant 1 : i32
    %dma_start3A_37 = arith.constant 0 : i32
    %dma_start3A_38 = arith.constant 0 : i32
    %dma_start3A_39 = tpu.memref_slice %arg6[%dma_start3A_36, %dma_start3A_37, %dma_start3A_38] : memref<4x128x128xf32, #tpu.memory_space<vmem>> -> memref<1x128x128xf32, #tpu.memory_space<vmem>>
    %dma_start3A_40 = tpu.memref_squeeze %dma_start3A_39 : memref<1x128x128xf32, #tpu.memory_space<vmem>> -> memref<128x128xf32, #tpu.memory_space<vmem>>
    %dma_start3A_41 = arith.constant 0 : i32
    %dma_start3A_42 = tpu.memref_slice %arg5[%add3A_35, %dma_start3A_41] : memref<24x128xi32, #tpu.memory_space<vmem>> -> memref<1x128xi32, #tpu.memory_space<vmem>>
    %dma_start3A_43 = tpu.memref_squeeze %dma_start3A_42 : memref<1x128xi32, #tpu.memory_space<vmem>> -> memref<128xi32, #tpu.memory_space<vmem>>
    %dma_start3A_44 = arith.constant 0 : i32
    %dma_start3A_45 = arith.constant 0 : i32
    %dma_start3A_46 = tpu.memref_slice %arg2[%dma_start3A_44, %dma_start3A_45] : memref<80000x128xf32, #tpu.memory_space<hbm>> -> memref<80000x128xf32, #tpu.memory_space<hbm>>
    tpu.enqueue_indirect_dma source(%dma_start3A_46 : memref<80000x128xf32, #tpu.memory_space<hbm>>) target(%dma_start3A_40 : memref<128x128xf32, #tpu.memory_space<vmem>>) offsets(%dma_start3A_43 : memref<128xi32, #tpu.memory_space<vmem>>) semaphore(%arg7 : memref<!tpu.dma_semaphore, #tpu.memory_space<semaphore_mem>>)
    %add3A_47 = arith.constant 2 : i32
    %add3A_48 = arith.addi %sub3A_21, %add3A_47 : i32
    %dma_start3A_49 = arith.constant 2 : i32
    %dma_start3A_50 = arith.constant 0 : i32
    %dma_start3A_51 = arith.constant 0 : i32
    %dma_start3A_52 = tpu.memref_slice %arg6[%dma_start3A_49, %dma_start3A_50, %dma_start3A_51] : memref<4x128x128xf32, #tpu.memory_space<vmem>> -> memref<1x128x128xf32, #tpu.memory_space<vmem>>
    %dma_start3A_53 = tpu.memref_squeeze %dma_start3A_52 : memref<1x128x128xf32, #tpu.memory_space<vmem>> -> memref<128x128xf32, #tpu.memory_space<vmem>>
    %dma_start3A_54 = arith.constant 0 : i32
    %dma_start3A_55 = tpu.memref_slice %arg5[%add3A_48, %dma_start3A_54] : memref<24x128xi32, #tpu.memory_space<vmem>> -> memref<1x128xi32, #tpu.memory_space<vmem>>
    %dma_start3A_56 = tpu.memref_squeeze %dma_start3A_55 : memref<1x128xi32, #tpu.memory_space<vmem>> -> memref<128xi32, #tpu.memory_space<vmem>>
    %dma_start3A_57 = arith.constant 0 : i32
    %dma_start3A_58 = arith.constant 0 : i32
    %dma_start3A_59 = tpu.memref_slice %arg2[%dma_start3A_57, %dma_start3A_58] : memref<80000x128xf32, #tpu.memory_space<hbm>> -> memref<80000x128xf32, #tpu.memory_space<hbm>>
    tpu.enqueue_indirect_dma source(%dma_start3A_59 : memref<80000x128xf32, #tpu.memory_space<hbm>>) target(%dma_start3A_53 : memref<128x128xf32, #tpu.memory_space<vmem>>) offsets(%dma_start3A_56 : memref<128xi32, #tpu.memory_space<vmem>>) semaphore(%arg7 : memref<!tpu.dma_semaphore, #tpu.memory_space<semaphore_mem>>)
    %scan3A = arith.constant 0 : i32
    %scan3A_60 = arith.constant 0 : i32
    %scan3A_61 = arith.constant 10 : i32
    %scan3A_62 = arith.addi %scan3A_60, %scan3A_61 : i32
    %scan3A_63 = arith.constant 1 : i32
    scf.for %scan3A_65 = %scan3A_60 to %scan3A_62 step %scan3A_63  : i32 {
      %add3A_66 = arith.constant 4 : i32
      %add3A_67 = arith.addi %scan3A_65, %add3A_66 : i32
      %sub3A_68 = arith.constant 1 : i32
      %sub3A_69 = arith.subi %add3A_67, %sub3A_68 : i32
      %lt3A = arith.constant 10 : i32
      %lt3A_70 = arith.cmpi slt, %sub3A_69, %lt3A : i32
      %convert_element_type3A = arith.extui %lt3A_70 : i1 to i32
      %cond3A = arith.constant 0 : i32
      %cond3A_71 = arith.cmpi ne, %convert_element_type3A, %cond3A : i32
      scf.if %cond3A_71 {
        %add3A_116 = arith.addi %sub3A_21, %sub3A_69 : i32
        %jit3A_117 = arith.constant 4 : i32
        %eq3A_118 = arith.constant 0 : i32
        %eq3A_119 = arith.cmpi eq, %jit3A_117, %eq3A_118 : i32
        %jit3A_120 = arith.constant 1 : i32
        %select_n3A_121 = arith.select %eq3A_119, %jit3A_120, %jit3A_117 : i32
        %rem3A_122 = arith.remsi %sub3A_69, %select_n3A_121 : i32
        %ne3A_123 = arith.constant 0 : i32
        %ne3A_124 = arith.cmpi ne, %rem3A_122, %ne3A_123 : i32
        %lt3A_125 = arith.constant 0 : i32
        %lt3A_126 = arith.cmpi slt, %rem3A_122, %lt3A_125 : i32
        %lt3A_127 = arith.constant 0 : i32
        %lt3A_128 = arith.cmpi slt, %select_n3A_121, %lt3A_127 : i32
        %ne3A_129 = arith.xori %lt3A_126, %lt3A_128 : i1
        %and3A_130 = arith.andi %ne3A_129, %ne3A_124 : i1
        %add3A_131 = arith.addi %rem3A_122, %select_n3A_121 : i32
        %select_n3A_132 = arith.select %and3A_130, %add3A_131, %rem3A_122 : i32
        %dma_start3A_133 = arith.constant 0 : i32
        %dma_start3A_134 = arith.constant 0 : i32
        %dma_start3A_135 = tpu.memref_slice %arg6[%select_n3A_132, %dma_start3A_133, %dma_start3A_134] : memref<4x128x128xf32, #tpu.memory_space<vmem>> -> memref<1x128x128xf32, #tpu.memory_space<vmem>>
        %dma_start3A_136 = tpu.memref_squeeze %dma_start3A_135 : memref<1x128x128xf32, #tpu.memory_space<vmem>> -> memref<128x128xf32, #tpu.memory_space<vmem>>
        %dma_start3A_137 = arith.constant 0 : i32
        %dma_start3A_138 = tpu.memref_slice %arg5[%add3A_116, %dma_start3A_137] : memref<24x128xi32, #tpu.memory_space<vmem>> -> memref<1x128xi32, #tpu.memory_space<vmem>>
        %dma_start3A_139 = tpu.memref_squeeze %dma_start3A_138 : memref<1x128xi32, #tpu.memory_space<vmem>> -> memref<128xi32, #tpu.memory_space<vmem>>
        %dma_start3A_140 = arith.constant 0 : i32
        %dma_start3A_141 = arith.constant 0 : i32
        %dma_start3A_142 = tpu.memref_slice %arg2[%dma_start3A_140, %dma_start3A_141] : memref<80000x128xf32, #tpu.memory_space<hbm>> -> memref<80000x128xf32, #tpu.memory_space<hbm>>
        tpu.enqueue_indirect_dma source(%dma_start3A_142 : memref<80000x128xf32, #tpu.memory_space<hbm>>) target(%dma_start3A_136 : memref<128x128xf32, #tpu.memory_space<vmem>>) offsets(%dma_start3A_139 : memref<128xi32, #tpu.memory_space<vmem>>) semaphore(%arg7 : memref<!tpu.dma_semaphore, #tpu.memory_space<semaphore_mem>>)
      } else {
      }
      %add3A_72 = arith.addi %sub3A_21, %scan3A_65 : i32
      %jit3A_73 = arith.constant 4 : i32
      %eq3A = arith.constant 0 : i32
      %eq3A_74 = arith.cmpi eq, %jit3A_73, %eq3A : i32
      %jit3A_75 = arith.constant 1 : i32
      %select_n3A_76 = arith.select %eq3A_74, %jit3A_75, %jit3A_73 : i32
      %rem3A_77 = arith.remsi %scan3A_65, %select_n3A_76 : i32
      %ne3A_78 = arith.constant 0 : i32
      %ne3A_79 = arith.cmpi ne, %rem3A_77, %ne3A_78 : i32
      %lt3A_80 = arith.constant 0 : i32
      %lt3A_81 = arith.cmpi slt, %rem3A_77, %lt3A_80 : i32
      %lt3A_82 = arith.constant 0 : i32
      %lt3A_83 = arith.cmpi slt, %select_n3A_76, %lt3A_82 : i32
      %ne3A_84 = arith.xori %lt3A_81, %lt3A_83 : i1
      %and3A_85 = arith.andi %ne3A_84, %ne3A_79 : i1
      %add3A_86 = arith.addi %rem3A_77, %select_n3A_76 : i32
      %select_n3A_87 = arith.select %and3A_85, %add3A_86, %rem3A_77 : i32
      %dma_wait3A = arith.constant 0 : i32
      %dma_wait3A_88 = arith.constant 0 : i32
      %dma_wait3A_89 = tpu.memref_slice %arg6[%select_n3A_87, %dma_wait3A, %dma_wait3A_88] : memref<4x128x128xf32, #tpu.memory_space<vmem>> -> memref<1x128x128xf32, #tpu.memory_space<vmem>>
      %dma_wait3A_90 = tpu.memref_squeeze %dma_wait3A_89 : memref<1x128x128xf32, #tpu.memory_space<vmem>> -> memref<128x128xf32, #tpu.memory_space<vmem>>
      %dma_wait3A_91 = arith.constant 0 : i32
      %dma_wait3A_92 = tpu.memref_slice %arg5[%add3A_72, %dma_wait3A_91] : memref<24x128xi32, #tpu.memory_space<vmem>> -> memref<1x128xi32, #tpu.memory_space<vmem>>
      %dma_wait3A_93 = tpu.memref_squeeze %dma_wait3A_92 : memref<1x128xi32, #tpu.memory_space<vmem>> -> memref<128xi32, #tpu.memory_space<vmem>>
      %dma_wait3A_94 = arith.constant 0 : i32
      %dma_wait3A_95 = arith.constant 0 : i32
      %dma_wait3A_96 = tpu.memref_slice %arg2[%dma_wait3A_94, %dma_wait3A_95] : memref<80000x128xf32, #tpu.memory_space<hbm>> -> memref<80000x128xf32, #tpu.memory_space<hbm>>
      tpu.wait_indirect_dma semaphore(%arg7 : memref<!tpu.dma_semaphore, #tpu.memory_space<semaphore_mem>>) src(%dma_wait3A_96 : memref<80000x128xf32, #tpu.memory_space<hbm>>) dst(%dma_wait3A_90 : memref<128x128xf32, #tpu.memory_space<vmem>>)
      %jit3A_97 = arith.constant 4 : i32
      %eq3A_98 = arith.constant 0 : i32
      %eq3A_99 = arith.cmpi eq, %jit3A_97, %eq3A_98 : i32
      %jit3A_100 = arith.constant 1 : i32
      %select_n3A_101 = arith.select %eq3A_99, %jit3A_100, %jit3A_97 : i32
      %rem3A_102 = arith.remsi %scan3A_65, %select_n3A_101 : i32
      %ne3A_103 = arith.constant 0 : i32
      %ne3A_104 = arith.cmpi ne, %rem3A_102, %ne3A_103 : i32
      %lt3A_105 = arith.constant 0 : i32
      %lt3A_106 = arith.cmpi slt, %rem3A_102, %lt3A_105 : i32
      %lt3A_107 = arith.constant 0 : i32
      %lt3A_108 = arith.cmpi slt, %select_n3A_101, %lt3A_107 : i32
      %ne3A_109 = arith.xori %lt3A_106, %lt3A_108 : i1
      %and3A_110 = arith.andi %ne3A_109, %ne3A_104 : i1
      %add3A_111 = arith.addi %rem3A_102, %select_n3A_101 : i32
      %select_n3A_112 = arith.select %and3A_110, %add3A_111, %rem3A_102 : i32
      %add3A_113 = arith.addi %mul3A_2, %scan3A_65 : i32
      %mul3A_114 = arith.constant 128 : i32
      %mul3A_115 = arith.muli %add3A_113, %mul3A_114 : i32
      "tpu.region"() ({
        %run_scoped3A = tpu.sem_alloc : memref<!tpu.dma_semaphore, #tpu.memory_space<semaphore_mem>>
        %dma_start3A_116 = arith.constant 0 : i32
        %dma_start3A_117 = arith.constant 0 : i32
        %dma_start3A_118 = tpu.memref_slice %arg6[%select_n3A_112, %dma_start3A_116, %dma_start3A_117] : memref<4x128x128xf32, #tpu.memory_space<vmem>> -> memref<1x128x128xf32, #tpu.memory_space<vmem>>
        %dma_start3A_119 = tpu.memref_squeeze %dma_start3A_118 : memref<1x128x128xf32, #tpu.memory_space<vmem>> -> memref<128x128xf32, #tpu.memory_space<vmem>>
        %dma_start3A_120 = arith.constant 0 : i32
        %dma_start3A_121 = tpu.memref_slice %arg4[%mul3A_115, %dma_start3A_120] : memref<40960x128xf32, #tpu.memory_space<hbm>> -> memref<128x128xf32, #tpu.memory_space<hbm>>
        %dma_start3A_122 = arith.constant 0 : i32
        %dma_start3A_123 = tpu.memref_slice %arg4[%mul3A_115, %dma_start3A_122] : memref<40960x128xf32, #tpu.memory_space<hbm>> -> memref<128x128xf32, #tpu.memory_space<hbm>>
        %dma_start3A_124 = arith.constant 0 : i32
        %dma_start3A_125 = arith.constant 0 : i32
        %dma_start3A_126 = tpu.memref_slice %arg6[%select_n3A_112, %dma_start3A_124, %dma_start3A_125] : memref<4x128x128xf32, #tpu.memory_space<vmem>> -> memref<1x128x128xf32, #tpu.memory_space<vmem>>
        %dma_start3A_127 = tpu.memref_squeeze %dma_start3A_126 : memref<1x128x128xf32, #tpu.memory_space<vmem>> -> memref<128x128xf32, #tpu.memory_space<vmem>>
        tpu.enqueue_dma source(%dma_start3A_127 : memref<128x128xf32, #tpu.memory_space<vmem>>) target(%dma_start3A_123 : memref<128x128xf32, #tpu.memory_space<hbm>>) target_semaphore(%run_scoped3A : memref<!tpu.dma_semaphore, #tpu.memory_space<semaphore_mem>>)
        %dma_wait3A_128 = arith.constant 0 : i32
        %dma_wait3A_129 = arith.constant 0 : i32
        %dma_wait3A_130 = tpu.memref_slice %arg6[%select_n3A_112, %dma_wait3A_128, %dma_wait3A_129] : memref<4x128x128xf32, #tpu.memory_space<vmem>> -> memref<1x128x128xf32, #tpu.memory_space<vmem>>
        %dma_wait3A_131 = tpu.memref_squeeze %dma_wait3A_130 : memref<1x128x128xf32, #tpu.memory_space<vmem>> -> memref<128x128xf32, #tpu.memory_space<vmem>>
        %dma_wait3A_132 = arith.constant 0 : i32
        %dma_wait3A_133 = tpu.memref_slice %arg4[%mul3A_115, %dma_wait3A_132] : memref<40960x128xf32, #tpu.memory_space<hbm>> -> memref<128x128xf32, #tpu.memory_space<hbm>>
        %dma_wait3A_134 = arith.constant 0 : i32
        %dma_wait3A_135 = tpu.memref_slice %arg4[%mul3A_115, %dma_wait3A_134] : memref<40960x128xf32, #tpu.memory_space<hbm>> -> memref<128x128xf32, #tpu.memory_space<hbm>>
        %dma_wait3A_136 = arith.constant 0 : i32
        %dma_wait3A_137 = arith.constant 0 : i32
        %dma_wait3A_138 = tpu.memref_slice %arg6[%select_n3A_112, %dma_wait3A_136, %dma_wait3A_137] : memref<4x128x128xf32, #tpu.memory_space<vmem>> -> memref<1x128x128xf32, #tpu.memory_space<vmem>>
        %dma_wait3A_139 = tpu.memref_squeeze %dma_wait3A_138 : memref<1x128x128xf32, #tpu.memory_space<vmem>> -> memref<128x128xf32, #tpu.memory_space<vmem>>
        tpu.wait_dma2 semaphore(%run_scoped3A : memref<!tpu.dma_semaphore, #tpu.memory_space<semaphore_mem>>) src(%dma_wait3A_139 : memref<128x128xf32, #tpu.memory_space<vmem>>) dst(%dma_wait3A_135 : memref<128x128xf32, #tpu.memory_space<hbm>>)
        tpu.yield
      }) : () -> ()
    }
    %scan3A_64 = arith.constant 10 : i32
    return
  }
}

#map = affine_map<(d0, d1) -> (0, 0)>
module attributes {stable_mosaic.version = 14 : i64} {
  func.func @gather(%arg0: i32, %arg1: i32, %arg2: memref<80000x128xf32, #tpu.memory_space<hbm>>, %arg3: memref<328x128xi32, #tpu.memory_space<hbm>>, %arg4: memref<40960x128xf32, #tpu.memory_space<hbm>>, %arg5: memref<24x128xi32, #tpu.memory_space<vmem>>, %arg6: memref<4x128x128xf32, #tpu.memory_space<vmem>>, %arg7: memref<!tpu.dma_semaphore, #tpu.memory_space<semaphore_mem>>) attributes {dimension_semantics = [#tpu.dimension_semantics<core_parallel>, #tpu.dimension_semantics<subcore_parallel>], iteration_bounds = array<i64: 2, 16>, scalar_prefetch = 0 : i64, scratch_operands = 3 : i64, tpu.core_type = #tpu.core_type<sc_vector_subcore>, window_params = [{transform_indices = #map}, {transform_indices = #map}, {transform_indices = #map}]} {
    %mul3A = arith.constant 2 : i32
    %mul3A_0 = arith.muli %arg1, %mul3A : i32
    %add3A = arith.addi %mul3A_0, %arg0 : i32
    %mul3A_1 = arith.constant 10 : i32
    %mul3A_2 = arith.muli %add3A, %mul3A_1 : i32
    %jit3A = arith.constant 8 : i32
    %div3A = arith.divsi %mul3A_2, %jit3A : i32
    %sign3A = arith.constant 0 : i32
    %sign3A_3 = arith.cmpi sgt, %mul3A_2, %sign3A : i32
    %sign3A_4 = arith.extui %sign3A_3 : i1 to i32
    %sign3A_5 = arith.constant 0 : i32
    %sign3A_6 = arith.cmpi slt, %mul3A_2, %sign3A_5 : i32
    %sign3A_7 = arith.extui %sign3A_6 : i1 to i32
    %sign3A_8 = arith.subi %sign3A_4, %sign3A_7 : i32
    %sign3A_9 = arith.constant 0 : i32
    %sign3A_10 = arith.cmpi sgt, %jit3A, %sign3A_9 : i32
    %sign3A_11 = arith.extui %sign3A_10 : i1 to i32
    %sign3A_12 = arith.constant 0 : i32
    %sign3A_13 = arith.cmpi slt, %jit3A, %sign3A_12 : i32
    %sign3A_14 = arith.extui %sign3A_13 : i1 to i32
    %sign3A_15 = arith.subi %sign3A_11, %sign3A_14 : i32
    %ne3A = arith.cmpi ne, %sign3A_8, %sign3A_15 : i32
    %rem3A = arith.remsi %mul3A_2, %jit3A : i32
    %ne3A_16 = arith.constant 0 : i32
    %ne3A_17 = arith.cmpi ne, %rem3A, %ne3A_16 : i32
    %and3A = arith.andi %ne3A, %ne3A_17 : i1
    %sub3A = arith.constant 1 : i32
    %sub3A_18 = arith.subi %div3A, %sub3A : i32
    %select_n3A = arith.select %and3A, %sub3A_18, %div3A : i32
    %mul3A_19 = arith.constant 8 : i32
    %mul3A_20 = arith.muli %select_n3A, %mul3A_19 : i32
    "tpu.region"() ({
      %run_scoped3A = tpu.sem_alloc : memref<!tpu.dma_semaphore, #tpu.memory_space<semaphore_mem>>
      %dma_start3A_65 = arith.constant 0 : i32
      %dma_start3A_66 = tpu.memref_slice %arg3[%mul3A_20, %dma_start3A_65] : memref<328x128xi32, #tpu.memory_space<hbm>> -> memref<24x128xi32, #tpu.memory_space<hbm>>
      %dma_start3A_67 = arith.constant 0 : i32
      %dma_start3A_68 = tpu.memref_slice %arg3[%mul3A_20, %dma_start3A_67] : memref<328x128xi32, #tpu.memory_space<hbm>> -> memref<24x128xi32, #tpu.memory_space<hbm>>
      tpu.enqueue_dma source(%dma_start3A_68 : memref<24x128xi32, #tpu.memory_space<hbm>>) target(%arg5 : memref<24x128xi32, #tpu.memory_space<vmem>>) target_semaphore(%run_scoped3A : memref<!tpu.dma_semaphore, #tpu.memory_space<semaphore_mem>>)
      %dma_wait3A = arith.constant 0 : i32
      %dma_wait3A_69 = tpu.memref_slice %arg3[%mul3A_20, %dma_wait3A] : memref<328x128xi32, #tpu.memory_space<hbm>> -> memref<24x128xi32, #tpu.memory_space<hbm>>
      %dma_wait3A_70 = arith.constant 0 : i32
      %dma_wait3A_71 = tpu.memref_slice %arg3[%mul3A_20, %dma_wait3A_70] : memref<328x128xi32, #tpu.memory_space<hbm>> -> memref<24x128xi32, #tpu.memory_space<hbm>>
      tpu.wait_dma2 semaphore(%run_scoped3A : memref<!tpu.dma_semaphore, #tpu.memory_space<semaphore_mem>>) src(%dma_wait3A_71 : memref<24x128xi32, #tpu.memory_space<hbm>>) dst(%arg5 : memref<24x128xi32, #tpu.memory_space<vmem>>)
      tpu.yield
    }) : () -> ()
    %sub3A_21 = arith.subi %mul3A_2, %mul3A_20 : i32
    %add3A_22 = arith.constant 0 : i32
    %add3A_23 = arith.addi %sub3A_21, %add3A_22 : i32
    %dma_start3A = arith.constant 0 : i32
    %dma_start3A_24 = arith.constant 0 : i32
    %dma_start3A_25 = arith.constant 0 : i32
    %dma_start3A_26 = tpu.memref_slice %arg6[%dma_start3A, %dma_start3A_24, %dma_start3A_25] : memref<4x128x128xf32, #tpu.memory_space<vmem>> -> memref<1x128x128xf32, #tpu.memory_space<vmem>>
    %dma_start3A_27 = tpu.memref_squeeze %dma_start3A_26 : memref<1x128x128xf32, #tpu.memory_space<vmem>> -> memref<128x128xf32, #tpu.memory_space<vmem>>
    %dma_start3A_28 = arith.constant 0 : i32
    %dma_start3A_29 = tpu.memref_slice %arg5[%add3A_23, %dma_start3A_28] : memref<24x128xi32, #tpu.memory_space<vmem>> -> memref<1x128xi32, #tpu.memory_space<vmem>>
    %dma_start3A_30 = tpu.memref_squeeze %dma_start3A_29 : memref<1x128xi32, #tpu.memory_space<vmem>> -> memref<128xi32, #tpu.memory_space<vmem>>
    %dma_start3A_31 = arith.constant 0 : i32
    %dma_start3A_32 = arith.constant 0 : i32
    %dma_start3A_33 = tpu.memref_slice %arg2[%dma_start3A_31, %dma_start3A_32] : memref<80000x128xf32, #tpu.memory_space<hbm>> -> memref<80000x128xf32, #tpu.memory_space<hbm>>
    tpu.enqueue_indirect_dma source(%dma_start3A_33 : memref<80000x128xf32, #tpu.memory_space<hbm>>) target(%dma_start3A_27 : memref<128x128xf32, #tpu.memory_space<vmem>>) offsets(%dma_start3A_30 : memref<128xi32, #tpu.memory_space<vmem>>) semaphore(%arg7 : memref<!tpu.dma_semaphore, #tpu.memory_space<semaphore_mem>>)
    %add3A_34 = arith.constant 1 : i32
    %add3A_35 = arith.addi %sub3A_21, %add3A_34 : i32
    %dma_start3A_36 = arith.constant 1 : i32
    %dma_start3A_37 = arith.constant 0 : i32
    %dma_start3A_38 = arith.constant 0 : i32
    %dma_start3A_39 = tpu.memref_slice %arg6[%dma_start3A_36, %dma_start3A_37, %dma_start3A_38] : memref<4x128x128xf32, #tpu.memory_space<vmem>> -> memref<1x128x128xf32, #tpu.memory_space<vmem>>
    %dma_start3A_40 = tpu.memref_squeeze %dma_start3A_39 : memref<1x128x128xf32, #tpu.memory_space<vmem>> -> memref<128x128xf32, #tpu.memory_space<vmem>>
    %dma_start3A_41 = arith.constant 0 : i32
    %dma_start3A_42 = tpu.memref_slice %arg5[%add3A_35, %dma_start3A_41] : memref<24x128xi32, #tpu.memory_space<vmem>> -> memref<1x128xi32, #tpu.memory_space<vmem>>
    %dma_start3A_43 = tpu.memref_squeeze %dma_start3A_42 : memref<1x128xi32, #tpu.memory_space<vmem>> -> memref<128xi32, #tpu.memory_space<vmem>>
    %dma_start3A_44 = arith.constant 0 : i32
    %dma_start3A_45 = arith.constant 0 : i32
    %dma_start3A_46 = tpu.memref_slice %arg2[%dma_start3A_44, %dma_start3A_45] : memref<80000x128xf32, #tpu.memory_space<hbm>> -> memref<80000x128xf32, #tpu.memory_space<hbm>>
    tpu.enqueue_indirect_dma source(%dma_start3A_46 : memref<80000x128xf32, #tpu.memory_space<hbm>>) target(%dma_start3A_40 : memref<128x128xf32, #tpu.memory_space<vmem>>) offsets(%dma_start3A_43 : memref<128xi32, #tpu.memory_space<vmem>>) semaphore(%arg7 : memref<!tpu.dma_semaphore, #tpu.memory_space<semaphore_mem>>)
    %add3A_47 = arith.constant 2 : i32
    %add3A_48 = arith.addi %sub3A_21, %add3A_47 : i32
    %dma_start3A_49 = arith.constant 2 : i32
    %dma_start3A_50 = arith.constant 0 : i32
    %dma_start3A_51 = arith.constant 0 : i32
    %dma_start3A_52 = tpu.memref_slice %arg6[%dma_start3A_49, %dma_start3A_50, %dma_start3A_51] : memref<4x128x128xf32, #tpu.memory_space<vmem>> -> memref<1x128x128xf32, #tpu.memory_space<vmem>>
    %dma_start3A_53 = tpu.memref_squeeze %dma_start3A_52 : memref<1x128x128xf32, #tpu.memory_space<vmem>> -> memref<128x128xf32, #tpu.memory_space<vmem>>
    %dma_start3A_54 = arith.constant 0 : i32
    %dma_start3A_55 = tpu.memref_slice %arg5[%add3A_48, %dma_start3A_54] : memref<24x128xi32, #tpu.memory_space<vmem>> -> memref<1x128xi32, #tpu.memory_space<vmem>>
    %dma_start3A_56 = tpu.memref_squeeze %dma_start3A_55 : memref<1x128xi32, #tpu.memory_space<vmem>> -> memref<128xi32, #tpu.memory_space<vmem>>
    %dma_start3A_57 = arith.constant 0 : i32
    %dma_start3A_58 = arith.constant 0 : i32
    %dma_start3A_59 = tpu.memref_slice %arg2[%dma_start3A_57, %dma_start3A_58] : memref<80000x128xf32, #tpu.memory_space<hbm>> -> memref<80000x128xf32, #tpu.memory_space<hbm>>
    tpu.enqueue_indirect_dma source(%dma_start3A_59 : memref<80000x128xf32, #tpu.memory_space<hbm>>) target(%dma_start3A_53 : memref<128x128xf32, #tpu.memory_space<vmem>>) offsets(%dma_start3A_56 : memref<128xi32, #tpu.memory_space<vmem>>) semaphore(%arg7 : memref<!tpu.dma_semaphore, #tpu.memory_space<semaphore_mem>>)
    %scan3A = arith.constant 0 : i32
    %scan3A_60 = arith.constant 0 : i32
    %scan3A_61 = arith.constant 10 : i32
    %scan3A_62 = arith.addi %scan3A_60, %scan3A_61 : i32
    %scan3A_63 = arith.constant 1 : i32
    scf.for %scan3A_65 = %scan3A_60 to %scan3A_62 step %scan3A_63  : i32 {
      %add3A_66 = arith.constant 4 : i32
      %add3A_67 = arith.addi %scan3A_65, %add3A_66 : i32
      %sub3A_68 = arith.constant 1 : i32
      %sub3A_69 = arith.subi %add3A_67, %sub3A_68 : i32
      %lt3A = arith.constant 10 : i32
      %lt3A_70 = arith.cmpi slt, %sub3A_69, %lt3A : i32
      %convert_element_type3A = arith.extui %lt3A_70 : i1 to i32
      %cond3A = arith.constant 0 : i32
      %cond3A_71 = arith.cmpi ne, %convert_element_type3A, %cond3A : i32
      scf.if %cond3A_71 {
        %add3A_116 = arith.addi %sub3A_21, %sub3A_69 : i32
        %jit3A_117 = arith.constant 4 : i32
        %eq3A_118 = arith.constant 0 : i32
        %eq3A_119 = arith.cmpi eq, %jit3A_117, %eq3A_118 : i32
        %jit3A_120 = arith.constant 1 : i32
        %select_n3A_121 = arith.select %eq3A_119, %jit3A_120, %jit3A_117 : i32
        %rem3A_122 = arith.remsi %sub3A_69, %select_n3A_121 : i32
        %ne3A_123 = arith.constant 0 : i32
        %ne3A_124 = arith.cmpi ne, %rem3A_122, %ne3A_123 : i32
        %lt3A_125 = arith.constant 0 : i32
        %lt3A_126 = arith.cmpi slt, %rem3A_122, %lt3A_125 : i32
        %lt3A_127 = arith.constant 0 : i32
        %lt3A_128 = arith.cmpi slt, %select_n3A_121, %lt3A_127 : i32
        %ne3A_129 = arith.xori %lt3A_126, %lt3A_128 : i1
        %and3A_130 = arith.andi %ne3A_129, %ne3A_124 : i1
        %add3A_131 = arith.addi %rem3A_122, %select_n3A_121 : i32
        %select_n3A_132 = arith.select %and3A_130, %add3A_131, %rem3A_122 : i32
        %dma_start3A_133 = arith.constant 0 : i32
        %dma_start3A_134 = arith.constant 0 : i32
        %dma_start3A_135 = tpu.memref_slice %arg6[%select_n3A_132, %dma_start3A_133, %dma_start3A_134] : memref<4x128x128xf32, #tpu.memory_space<vmem>> -> memref<1x128x128xf32, #tpu.memory_space<vmem>>
        %dma_start3A_136 = tpu.memref_squeeze %dma_start3A_135 : memref<1x128x128xf32, #tpu.memory_space<vmem>> -> memref<128x128xf32, #tpu.memory_space<vmem>>
        %dma_start3A_137 = arith.constant 0 : i32
        %dma_start3A_138 = tpu.memref_slice %arg5[%add3A_116, %dma_start3A_137] : memref<24x128xi32, #tpu.memory_space<vmem>> -> memref<1x128xi32, #tpu.memory_space<vmem>>
        %dma_start3A_139 = tpu.memref_squeeze %dma_start3A_138 : memref<1x128xi32, #tpu.memory_space<vmem>> -> memref<128xi32, #tpu.memory_space<vmem>>
        %dma_start3A_140 = arith.constant 0 : i32
        %dma_start3A_141 = arith.constant 0 : i32
        %dma_start3A_142 = tpu.memref_slice %arg2[%dma_start3A_140, %dma_start3A_141] : memref<80000x128xf32, #tpu.memory_space<hbm>> -> memref<80000x128xf32, #tpu.memory_space<hbm>>
        tpu.enqueue_indirect_dma source(%dma_start3A_142 : memref<80000x128xf32, #tpu.memory_space<hbm>>) target(%dma_start3A_136 : memref<128x128xf32, #tpu.memory_space<vmem>>) offsets(%dma_start3A_139 : memref<128xi32, #tpu.memory_space<vmem>>) semaphore(%arg7 : memref<!tpu.dma_semaphore, #tpu.memory_space<semaphore_mem>>)
      } else {
      }
      %add3A_72 = arith.addi %sub3A_21, %scan3A_65 : i32
      %jit3A_73 = arith.constant 4 : i32
      %eq3A = arith.constant 0 : i32
      %eq3A_74 = arith.cmpi eq, %jit3A_73, %eq3A : i32
      %jit3A_75 = arith.constant 1 : i32
      %select_n3A_76 = arith.select %eq3A_74, %jit3A_75, %jit3A_73 : i32
      %rem3A_77 = arith.remsi %scan3A_65, %select_n3A_76 : i32
      %ne3A_78 = arith.constant 0 : i32
      %ne3A_79 = arith.cmpi ne, %rem3A_77, %ne3A_78 : i32
      %lt3A_80 = arith.constant 0 : i32
      %lt3A_81 = arith.cmpi slt, %rem3A_77, %lt3A_80 : i32
      %lt3A_82 = arith.constant 0 : i32
      %lt3A_83 = arith.cmpi slt, %select_n3A_76, %lt3A_82 : i32
      %ne3A_84 = arith.xori %lt3A_81, %lt3A_83 : i1
      %and3A_85 = arith.andi %ne3A_84, %ne3A_79 : i1
      %add3A_86 = arith.addi %rem3A_77, %select_n3A_76 : i32
      %select_n3A_87 = arith.select %and3A_85, %add3A_86, %rem3A_77 : i32
      %dma_wait3A = arith.constant 0 : i32
      %dma_wait3A_88 = arith.constant 0 : i32
      %dma_wait3A_89 = tpu.memref_slice %arg6[%select_n3A_87, %dma_wait3A, %dma_wait3A_88] : memref<4x128x128xf32, #tpu.memory_space<vmem>> -> memref<1x128x128xf32, #tpu.memory_space<vmem>>
      %dma_wait3A_90 = tpu.memref_squeeze %dma_wait3A_89 : memref<1x128x128xf32, #tpu.memory_space<vmem>> -> memref<128x128xf32, #tpu.memory_space<vmem>>
      %dma_wait3A_91 = arith.constant 0 : i32
      %dma_wait3A_92 = tpu.memref_slice %arg5[%add3A_72, %dma_wait3A_91] : memref<24x128xi32, #tpu.memory_space<vmem>> -> memref<1x128xi32, #tpu.memory_space<vmem>>
      %dma_wait3A_93 = tpu.memref_squeeze %dma_wait3A_92 : memref<1x128xi32, #tpu.memory_space<vmem>> -> memref<128xi32, #tpu.memory_space<vmem>>
      %dma_wait3A_94 = arith.constant 0 : i32
      %dma_wait3A_95 = arith.constant 0 : i32
      %dma_wait3A_96 = tpu.memref_slice %arg2[%dma_wait3A_94, %dma_wait3A_95] : memref<80000x128xf32, #tpu.memory_space<hbm>> -> memref<80000x128xf32, #tpu.memory_space<hbm>>
      tpu.wait_indirect_dma semaphore(%arg7 : memref<!tpu.dma_semaphore, #tpu.memory_space<semaphore_mem>>) src(%dma_wait3A_96 : memref<80000x128xf32, #tpu.memory_space<hbm>>) dst(%dma_wait3A_90 : memref<128x128xf32, #tpu.memory_space<vmem>>)
      %jit3A_97 = arith.constant 4 : i32
      %eq3A_98 = arith.constant 0 : i32
      %eq3A_99 = arith.cmpi eq, %jit3A_97, %eq3A_98 : i32
      %jit3A_100 = arith.constant 1 : i32
      %select_n3A_101 = arith.select %eq3A_99, %jit3A_100, %jit3A_97 : i32
      %rem3A_102 = arith.remsi %scan3A_65, %select_n3A_101 : i32
      %ne3A_103 = arith.constant 0 : i32
      %ne3A_104 = arith.cmpi ne, %rem3A_102, %ne3A_103 : i32
      %lt3A_105 = arith.constant 0 : i32
      %lt3A_106 = arith.cmpi slt, %rem3A_102, %lt3A_105 : i32
      %lt3A_107 = arith.constant 0 : i32
      %lt3A_108 = arith.cmpi slt, %select_n3A_101, %lt3A_107 : i32
      %ne3A_109 = arith.xori %lt3A_106, %lt3A_108 : i1
      %and3A_110 = arith.andi %ne3A_109, %ne3A_104 : i1
      %add3A_111 = arith.addi %rem3A_102, %select_n3A_101 : i32
      %select_n3A_112 = arith.select %and3A_110, %add3A_111, %rem3A_102 : i32
      %add3A_113 = arith.addi %mul3A_2, %scan3A_65 : i32
      %mul3A_114 = arith.constant 128 : i32
      %mul3A_115 = arith.muli %add3A_113, %mul3A_114 : i32
      "tpu.region"() ({
        %run_scoped3A = tpu.sem_alloc : memref<!tpu.dma_semaphore, #tpu.memory_space<semaphore_mem>>
        %dma_start3A_116 = arith.constant 0 : i32
        %dma_start3A_117 = arith.constant 0 : i32
        %dma_start3A_118 = tpu.memref_slice %arg6[%select_n3A_112, %dma_start3A_116, %dma_start3A_117] : memref<4x128x128xf32, #tpu.memory_space<vmem>> -> memref<1x128x128xf32, #tpu.memory_space<vmem>>
        %dma_start3A_119 = tpu.memref_squeeze %dma_start3A_118 : memref<1x128x128xf32, #tpu.memory_space<vmem>> -> memref<128x128xf32, #tpu.memory_space<vmem>>
        %dma_start3A_120 = arith.constant 0 : i32
        %dma_start3A_121 = tpu.memref_slice %arg4[%mul3A_115, %dma_start3A_120] : memref<40960x128xf32, #tpu.memory_space<hbm>> -> memref<128x128xf32, #tpu.memory_space<hbm>>
        %dma_start3A_122 = arith.constant 0 : i32
        %dma_start3A_123 = tpu.memref_slice %arg4[%mul3A_115, %dma_start3A_122] : memref<40960x128xf32, #tpu.memory_space<hbm>> -> memref<128x128xf32, #tpu.memory_space<hbm>>
        %dma_start3A_124 = arith.constant 0 : i32
        %dma_start3A_125 = arith.constant 0 : i32
        %dma_start3A_126 = tpu.memref_slice %arg6[%select_n3A_112, %dma_start3A_124, %dma_start3A_125] : memref<4x128x128xf32, #tpu.memory_space<vmem>> -> memref<1x128x128xf32, #tpu.memory_space<vmem>>
        %dma_start3A_127 = tpu.memref_squeeze %dma_start3A_126 : memref<1x128x128xf32, #tpu.memory_space<vmem>> -> memref<128x128xf32, #tpu.memory_space<vmem>>
        tpu.enqueue_dma source(%dma_start3A_127 : memref<128x128xf32, #tpu.memory_space<vmem>>) target(%dma_start3A_123 : memref<128x128xf32, #tpu.memory_space<hbm>>) target_semaphore(%run_scoped3A : memref<!tpu.dma_semaphore, #tpu.memory_space<semaphore_mem>>)
        %dma_wait3A_128 = arith.constant 0 : i32
        %dma_wait3A_129 = arith.constant 0 : i32
        %dma_wait3A_130 = tpu.memref_slice %arg6[%select_n3A_112, %dma_wait3A_128, %dma_wait3A_129] : memref<4x128x128xf32, #tpu.memory_space<vmem>> -> memref<1x128x128xf32, #tpu.memory_space<vmem>>
        %dma_wait3A_131 = tpu.memref_squeeze %dma_wait3A_130 : memref<1x128x128xf32, #tpu.memory_space<vmem>> -> memref<128x128xf32, #tpu.memory_space<vmem>>
        %dma_wait3A_132 = arith.constant 0 : i32
        %dma_wait3A_133 = tpu.memref_slice %arg4[%mul3A_115, %dma_wait3A_132] : memref<40960x128xf32, #tpu.memory_space<hbm>> -> memref<128x128xf32, #tpu.memory_space<hbm>>
        %dma_wait3A_134 = arith.constant 0 : i32
        %dma_wait3A_135 = tpu.memref_slice %arg4[%mul3A_115, %dma_wait3A_134] : memref<40960x128xf32, #tpu.memory_space<hbm>> -> memref<128x128xf32, #tpu.memory_space<hbm>>
        %dma_wait3A_136 = arith.constant 0 : i32
        %dma_wait3A_137 = arith.constant 0 : i32
        %dma_wait3A_138 = tpu.memref_slice %arg6[%select_n3A_112, %dma_wait3A_136, %dma_wait3A_137] : memref<4x128x128xf32, #tpu.memory_space<vmem>> -> memref<1x128x128xf32, #tpu.memory_space<vmem>>
        %dma_wait3A_139 = tpu.memref_squeeze %dma_wait3A_138 : memref<1x128x128xf32, #tpu.memory_space<vmem>> -> memref<128x128xf32, #tpu.memory_space<vmem>>
        tpu.wait_dma2 semaphore(%run_scoped3A : memref<!tpu.dma_semaphore, #tpu.memory_space<semaphore_mem>>) src(%dma_wait3A_139 : memref<128x128xf32, #tpu.memory_space<vmem>>) dst(%dma_wait3A_135 : memref<128x128xf32, #tpu.memory_space<hbm>>)
        tpu.yield
      }) : () -> ()
    }
    %scan3A_64 = arith.constant 10 : i32
    return
  }
}

#map = affine_map<(d0, d1) -> (0, 0)>
module attributes {stable_mosaic.version = 14 : i64} {
  func.func @scatter(%arg0: i32, %arg1: i32, %arg2: memref<40000x128xf32, #tpu.memory_space<hbm>>, %arg3: memref<40000x128xf32, #tpu.memory_space<hbm>>, %arg4: memref<648x128xi32, #tpu.memory_space<hbm>>, %arg5: memref<80000x128xf32, #tpu.memory_space<hbm>>, %arg6: memref<32x128xi32, #tpu.memory_space<vmem>>, %arg7: memref<4x128x128xf32, #tpu.memory_space<vmem>>, %arg8: memref<!tpu.dma_semaphore, #tpu.memory_space<semaphore_mem>>) attributes {dimension_semantics = [#tpu.dimension_semantics<core_parallel>, #tpu.dimension_semantics<subcore_parallel>], iteration_bounds = array<i64: 2, 16>, scalar_prefetch = 0 : i64, scratch_operands = 3 : i64, tpu.core_type = #tpu.core_type<sc_vector_subcore>, window_params = [{transform_indices = #map}, {transform_indices = #map}, {transform_indices = #map}, {transform_indices = #map}]} {
    %mul3A = arith.constant 2 : i32
    %mul3A_0 = arith.muli %arg1, %mul3A : i32
    %add3A = arith.addi %mul3A_0, %arg0 : i32
    %mul3A_1 = arith.constant 20 : i32
    %mul3A_2 = arith.muli %add3A, %mul3A_1 : i32
    %jit3A = arith.constant 8 : i32
    %div3A = arith.divsi %mul3A_2, %jit3A : i32
    %sign3A = arith.constant 0 : i32
    %sign3A_3 = arith.cmpi sgt, %mul3A_2, %sign3A : i32
    %sign3A_4 = arith.extui %sign3A_3 : i1 to i32
    %sign3A_5 = arith.constant 0 : i32
    %sign3A_6 = arith.cmpi slt, %mul3A_2, %sign3A_5 : i32
    %sign3A_7 = arith.extui %sign3A_6 : i1 to i32
    %sign3A_8 = arith.subi %sign3A_4, %sign3A_7 : i32
    %sign3A_9 = arith.constant 0 : i32
    %sign3A_10 = arith.cmpi sgt, %jit3A, %sign3A_9 : i32
    %sign3A_11 = arith.extui %sign3A_10 : i1 to i32
    %sign3A_12 = arith.constant 0 : i32
    %sign3A_13 = arith.cmpi slt, %jit3A, %sign3A_12 : i32
    %sign3A_14 = arith.extui %sign3A_13 : i1 to i32
    %sign3A_15 = arith.subi %sign3A_11, %sign3A_14 : i32
    %ne3A = arith.cmpi ne, %sign3A_8, %sign3A_15 : i32
    %rem3A = arith.remsi %mul3A_2, %jit3A : i32
    %ne3A_16 = arith.constant 0 : i32
    %ne3A_17 = arith.cmpi ne, %rem3A, %ne3A_16 : i32
    %and3A = arith.andi %ne3A, %ne3A_17 : i1
    %sub3A = arith.constant 1 : i32
    %sub3A_18 = arith.subi %div3A, %sub3A : i32
    %select_n3A = arith.select %and3A, %sub3A_18, %div3A : i32
    %mul3A_19 = arith.constant 8 : i32
    %mul3A_20 = arith.muli %select_n3A, %mul3A_19 : i32
    "tpu.region"() ({
      %run_scoped3A = tpu.sem_alloc : memref<!tpu.dma_semaphore, #tpu.memory_space<semaphore_mem>>
      %dma_start3A = arith.constant 0 : i32
      %dma_start3A_84 = tpu.memref_slice %arg4[%mul3A_20, %dma_start3A] : memref<648x128xi32, #tpu.memory_space<hbm>> -> memref<32x128xi32, #tpu.memory_space<hbm>>
      %dma_start3A_85 = arith.constant 0 : i32
      %dma_start3A_86 = tpu.memref_slice %arg4[%mul3A_20, %dma_start3A_85] : memref<648x128xi32, #tpu.memory_space<hbm>> -> memref<32x128xi32, #tpu.memory_space<hbm>>
      tpu.enqueue_dma source(%dma_start3A_86 : memref<32x128xi32, #tpu.memory_space<hbm>>) target(%arg6 : memref<32x128xi32, #tpu.memory_space<vmem>>) target_semaphore(%run_scoped3A : memref<!tpu.dma_semaphore, #tpu.memory_space<semaphore_mem>>)
      %dma_wait3A = arith.constant 0 : i32
      %dma_wait3A_87 = tpu.memref_slice %arg4[%mul3A_20, %dma_wait3A] : memref<648x128xi32, #tpu.memory_space<hbm>> -> memref<32x128xi32, #tpu.memory_space<hbm>>
      %dma_wait3A_88 = arith.constant 0 : i32
      %dma_wait3A_89 = tpu.memref_slice %arg4[%mul3A_20, %dma_wait3A_88] : memref<648x128xi32, #tpu.memory_space<hbm>> -> memref<32x128xi32, #tpu.memory_space<hbm>>
      tpu.wait_dma2 semaphore(%run_scoped3A : memref<!tpu.dma_semaphore, #tpu.memory_space<semaphore_mem>>) src(%dma_wait3A_89 : memref<32x128xi32, #tpu.memory_space<hbm>>) dst(%arg6 : memref<32x128xi32, #tpu.memory_space<vmem>>)
      tpu.yield
    }) : () -> ()
    %sub3A_21 = arith.subi %mul3A_2, %mul3A_20 : i32
    %add3A_22 = arith.constant 0 : i32
    %add3A_23 = arith.addi %mul3A_2, %add3A_22 : i32
    %lt3A = arith.constant 312 : i32
    %lt3A_24 = arith.cmpi slt, %add3A_23, %lt3A : i32
    %and3A_25 = arith.constant true
    %and3A_26 = arith.andi %lt3A_24, %and3A_25 : i1
    %convert_element_type3A = arith.extui %and3A_26 : i1 to i32
    %cond3A = arith.constant 0 : i32
    %cond3A_27 = arith.cmpi ne, %convert_element_type3A, %cond3A : i32
    scf.if %cond3A_27 {
      %mul3A_84 = arith.constant 128 : i32
      %mul3A_85 = arith.muli %add3A_23, %mul3A_84 : i32
      %dma_start3A = arith.constant 0 : i32
      %dma_start3A_86 = arith.constant 0 : i32
      %dma_start3A_87 = arith.constant 0 : i32
      %dma_start3A_88 = tpu.memref_slice %arg7[%dma_start3A, %dma_start3A_86, %dma_start3A_87] : memref<4x128x128xf32, #tpu.memory_space<vmem>> -> memref<1x128x128xf32, #tpu.memory_space<vmem>>
      %dma_start3A_89 = tpu.memref_squeeze %dma_start3A_88 : memref<1x128x128xf32, #tpu.memory_space<vmem>> -> memref<128x128xf32, #tpu.memory_space<vmem>>
      %dma_start3A_90 = arith.constant 0 : i32
      %dma_start3A_91 = tpu.memref_slice %arg2[%mul3A_85, %dma_start3A_90] : memref<40000x128xf32, #tpu.memory_space<hbm>> -> memref<128x128xf32, #tpu.memory_space<hbm>>
      %dma_start3A_92 = arith.constant 0 : i32
      %dma_start3A_93 = arith.constant 0 : i32
      %dma_start3A_94 = tpu.memref_slice %arg7[%dma_start3A, %dma_start3A_92, %dma_start3A_93] : memref<4x128x128xf32, #tpu.memory_space<vmem>> -> memref<1x128x128xf32, #tpu.memory_space<vmem>>
      %dma_start3A_95 = tpu.memref_squeeze %dma_start3A_94 : memref<1x128x128xf32, #tpu.memory_space<vmem>> -> memref<128x128xf32, #tpu.memory_space<vmem>>
      %dma_start3A_96 = arith.constant 0 : i32
      %dma_start3A_97 = tpu.memref_slice %arg2[%mul3A_85, %dma_start3A_96] : memref<40000x128xf32, #tpu.memory_space<hbm>> -> memref<128x128xf32, #tpu.memory_space<hbm>>
      tpu.enqueue_dma source(%dma_start3A_97 : memref<128x128xf32, #tpu.memory_space<hbm>>) target(%dma_start3A_95 : memref<128x128xf32, #tpu.memory_space<vmem>>) target_semaphore(%arg8 : memref<!tpu.dma_semaphore, #tpu.memory_space<semaphore_mem>>)
    } else {
    }
    %gt3A = arith.constant 312 : i32
    %gt3A_28 = arith.cmpi sgt, %add3A_23, %gt3A : i32
    %lt3A_29 = arith.constant 625 : i32
    %lt3A_30 = arith.cmpi slt, %add3A_23, %lt3A_29 : i32
    %and3A_31 = arith.andi %gt3A_28, %lt3A_30 : i1
    %and3A_32 = arith.constant true
    %and3A_33 = arith.andi %and3A_31, %and3A_32 : i1
    %convert_element_type3A_34 = arith.extui %and3A_33 : i1 to i32
    %cond3A_35 = arith.constant 0 : i32
    %cond3A_36 = arith.cmpi ne, %convert_element_type3A_34, %cond3A_35 : i32
    scf.if %cond3A_36 {
      %mul3A_84 = arith.constant 128 : i32
      %mul3A_85 = arith.muli %add3A_23, %mul3A_84 : i32
      %sub3A_86 = arith.constant 40000 : i32
      %sub3A_87 = arith.subi %mul3A_85, %sub3A_86 : i32
      %dma_start3A = arith.constant 0 : i32
      %dma_start3A_88 = arith.constant 0 : i32
      %dma_start3A_89 = arith.constant 0 : i32
      %dma_start3A_90 = tpu.memref_slice %arg7[%dma_start3A, %dma_start3A_88, %dma_start3A_89] : memref<4x128x128xf32, #tpu.memory_space<vmem>> -> memref<1x128x128xf32, #tpu.memory_space<vmem>>
      %dma_start3A_91 = tpu.memref_squeeze %dma_start3A_90 : memref<1x128x128xf32, #tpu.memory_space<vmem>> -> memref<128x128xf32, #tpu.memory_space<vmem>>
      %dma_start3A_92 = arith.constant 0 : i32
      %dma_start3A_93 = tpu.memref_slice %arg3[%sub3A_87, %dma_start3A_92] : memref<40000x128xf32, #tpu.memory_space<hbm>> -> memref<128x128xf32, #tpu.memory_space<hbm>>
      %dma_start3A_94 = arith.constant 0 : i32
      %dma_start3A_95 = arith.constant 0 : i32
      %dma_start3A_96 = tpu.memref_slice %arg7[%dma_start3A, %dma_start3A_94, %dma_start3A_95] : memref<4x128x128xf32, #tpu.memory_space<vmem>> -> memref<1x128x128xf32, #tpu.memory_space<vmem>>
      %dma_start3A_97 = tpu.memref_squeeze %dma_start3A_96 : memref<1x128x128xf32, #tpu.memory_space<vmem>> -> memref<128x128xf32, #tpu.memory_space<vmem>>
      %dma_start3A_98 = arith.constant 0 : i32
      %dma_start3A_99 = tpu.memref_slice %arg3[%sub3A_87, %dma_start3A_98] : memref<40000x128xf32, #tpu.memory_space<hbm>> -> memref<128x128xf32, #tpu.memory_space<hbm>>
      tpu.enqueue_dma source(%dma_start3A_99 : memref<128x128xf32, #tpu.memory_space<hbm>>) target(%dma_start3A_97 : memref<128x128xf32, #tpu.memory_space<vmem>>) target_semaphore(%arg8 : memref<!tpu.dma_semaphore, #tpu.memory_space<semaphore_mem>>)
    } else {
    }
    %add3A_37 = arith.constant 1 : i32
    %add3A_38 = arith.addi %mul3A_2, %add3A_37 : i32
    %lt3A_39 = arith.constant 312 : i32
    %lt3A_40 = arith.cmpi slt, %add3A_38, %lt3A_39 : i32
    %and3A_41 = arith.constant true
    %and3A_42 = arith.andi %lt3A_40, %and3A_41 : i1
    %convert_element_type3A_43 = arith.extui %and3A_42 : i1 to i32
    %cond3A_44 = arith.constant 0 : i32
    %cond3A_45 = arith.cmpi ne, %convert_element_type3A_43, %cond3A_44 : i32
    scf.if %cond3A_45 {
      %mul3A_84 = arith.constant 128 : i32
      %mul3A_85 = arith.muli %add3A_38, %mul3A_84 : i32
      %dma_start3A = arith.constant 1 : i32
      %dma_start3A_86 = arith.constant 0 : i32
      %dma_start3A_87 = arith.constant 0 : i32
      %dma_start3A_88 = tpu.memref_slice %arg7[%dma_start3A, %dma_start3A_86, %dma_start3A_87] : memref<4x128x128xf32, #tpu.memory_space<vmem>> -> memref<1x128x128xf32, #tpu.memory_space<vmem>>
      %dma_start3A_89 = tpu.memref_squeeze %dma_start3A_88 : memref<1x128x128xf32, #tpu.memory_space<vmem>> -> memref<128x128xf32, #tpu.memory_space<vmem>>
      %dma_start3A_90 = arith.constant 0 : i32
      %dma_start3A_91 = tpu.memref_slice %arg2[%mul3A_85, %dma_start3A_90] : memref<40000x128xf32, #tpu.memory_space<hbm>> -> memref<128x128xf32, #tpu.memory_space<hbm>>
      %dma_start3A_92 = arith.constant 0 : i32
      %dma_start3A_93 = arith.constant 0 : i32
      %dma_start3A_94 = tpu.memref_slice %arg7[%dma_start3A, %dma_start3A_92, %dma_start3A_93] : memref<4x128x128xf32, #tpu.memory_space<vmem>> -> memref<1x128x128xf32, #tpu.memory_space<vmem>>
      %dma_start3A_95 = tpu.memref_squeeze %dma_start3A_94 : memref<1x128x128xf32, #tpu.memory_space<vmem>> -> memref<128x128xf32, #tpu.memory_space<vmem>>
      %dma_start3A_96 = arith.constant 0 : i32
      %dma_start3A_97 = tpu.memref_slice %arg2[%mul3A_85, %dma_start3A_96] : memref<40000x128xf32, #tpu.memory_space<hbm>> -> memref<128x128xf32, #tpu.memory_space<hbm>>
      tpu.enqueue_dma source(%dma_start3A_97 : memref<128x128xf32, #tpu.memory_space<hbm>>) target(%dma_start3A_95 : memref<128x128xf32, #tpu.memory_space<vmem>>) target_semaphore(%arg8 : memref<!tpu.dma_semaphore, #tpu.memory_space<semaphore_mem>>)
    } else {
    }
    %gt3A_46 = arith.constant 312 : i32
    %gt3A_47 = arith.cmpi sgt, %add3A_38, %gt3A_46 : i32
    %lt3A_48 = arith.constant 625 : i32
    %lt3A_49 = arith.cmpi slt, %add3A_38, %lt3A_48 : i32
    %and3A_50 = arith.andi %gt3A_47, %lt3A_49 : i1
    %and3A_51 = arith.constant true
    %and3A_52 = arith.andi %and3A_50, %and3A_51 : i1
    %convert_element_type3A_53 = arith.extui %and3A_52 : i1 to i32
    %cond3A_54 = arith.constant 0 : i32
    %cond3A_55 = arith.cmpi ne, %convert_element_type3A_53, %cond3A_54 : i32
    scf.if %cond3A_55 {
      %mul3A_84 = arith.constant 128 : i32
      %mul3A_85 = arith.muli %add3A_38, %mul3A_84 : i32
      %sub3A_86 = arith.constant 40000 : i32
      %sub3A_87 = arith.subi %mul3A_85, %sub3A_86 : i32
      %dma_start3A = arith.constant 1 : i32
      %dma_start3A_88 = arith.constant 0 : i32
      %dma_start3A_89 = arith.constant 0 : i32
      %dma_start3A_90 = tpu.memref_slice %arg7[%dma_start3A, %dma_start3A_88, %dma_start3A_89] : memref<4x128x128xf32, #tpu.memory_space<vmem>> -> memref<1x128x128xf32, #tpu.memory_space<vmem>>
      %dma_start3A_91 = tpu.memref_squeeze %dma_start3A_90 : memref<1x128x128xf32, #tpu.memory_space<vmem>> -> memref<128x128xf32, #tpu.memory_space<vmem>>
      %dma_start3A_92 = arith.constant 0 : i32
      %dma_start3A_93 = tpu.memref_slice %arg3[%sub3A_87, %dma_start3A_92] : memref<40000x128xf32, #tpu.memory_space<hbm>> -> memref<128x128xf32, #tpu.memory_space<hbm>>
      %dma_start3A_94 = arith.constant 0 : i32
      %dma_start3A_95 = arith.constant 0 : i32
      %dma_start3A_96 = tpu.memref_slice %arg7[%dma_start3A, %dma_start3A_94, %dma_start3A_95] : memref<4x128x128xf32, #tpu.memory_space<vmem>> -> memref<1x128x128xf32, #tpu.memory_space<vmem>>
      %dma_start3A_97 = tpu.memref_squeeze %dma_start3A_96 : memref<1x128x128xf32, #tpu.memory_space<vmem>> -> memref<128x128xf32, #tpu.memory_space<vmem>>
      %dma_start3A_98 = arith.constant 0 : i32
      %dma_start3A_99 = tpu.memref_slice %arg3[%sub3A_87, %dma_start3A_98] : memref<40000x128xf32, #tpu.memory_space<hbm>> -> memref<128x128xf32, #tpu.memory_space<hbm>>
      tpu.enqueue_dma source(%dma_start3A_99 : memref<128x128xf32, #tpu.memory_space<hbm>>) target(%dma_start3A_97 : memref<128x128xf32, #tpu.memory_space<vmem>>) target_semaphore(%arg8 : memref<!tpu.dma_semaphore, #tpu.memory_space<semaphore_mem>>)
    } else {
    }
    %add3A_56 = arith.constant 2 : i32
    %add3A_57 = arith.addi %mul3A_2, %add3A_56 : i32
    %lt3A_58 = arith.constant 312 : i32
    %lt3A_59 = arith.cmpi slt, %add3A_57, %lt3A_58 : i32
    %and3A_60 = arith.constant true
    %and3A_61 = arith.andi %lt3A_59, %and3A_60 : i1
    %convert_element_type3A_62 = arith.extui %and3A_61 : i1 to i32
    %cond3A_63 = arith.constant 0 : i32
    %cond3A_64 = arith.cmpi ne, %convert_element_type3A_62, %cond3A_63 : i32
    scf.if %cond3A_64 {
      %mul3A_84 = arith.constant 128 : i32
      %mul3A_85 = arith.muli %add3A_57, %mul3A_84 : i32
      %dma_start3A = arith.constant 2 : i32
      %dma_start3A_86 = arith.constant 0 : i32
      %dma_start3A_87 = arith.constant 0 : i32
      %dma_start3A_88 = tpu.memref_slice %arg7[%dma_start3A, %dma_start3A_86, %dma_start3A_87] : memref<4x128x128xf32, #tpu.memory_space<vmem>> -> memref<1x128x128xf32, #tpu.memory_space<vmem>>
      %dma_start3A_89 = tpu.memref_squeeze %dma_start3A_88 : memref<1x128x128xf32, #tpu.memory_space<vmem>> -> memref<128x128xf32, #tpu.memory_space<vmem>>
      %dma_start3A_90 = arith.constant 0 : i32
      %dma_start3A_91 = tpu.memref_slice %arg2[%mul3A_85, %dma_start3A_90] : memref<40000x128xf32, #tpu.memory_space<hbm>> -> memref<128x128xf32, #tpu.memory_space<hbm>>
      %dma_start3A_92 = arith.constant 0 : i32
      %dma_start3A_93 = arith.constant 0 : i32
      %dma_start3A_94 = tpu.memref_slice %arg7[%dma_start3A, %dma_start3A_92, %dma_start3A_93] : memref<4x128x128xf32, #tpu.memory_space<vmem>> -> memref<1x128x128xf32, #tpu.memory_space<vmem>>
      %dma_start3A_95 = tpu.memref_squeeze %dma_start3A_94 : memref<1x128x128xf32, #tpu.memory_space<vmem>> -> memref<128x128xf32, #tpu.memory_space<vmem>>
      %dma_start3A_96 = arith.constant 0 : i32
      %dma_start3A_97 = tpu.memref_slice %arg2[%mul3A_85, %dma_start3A_96] : memref<40000x128xf32, #tpu.memory_space<hbm>> -> memref<128x128xf32, #tpu.memory_space<hbm>>
      tpu.enqueue_dma source(%dma_start3A_97 : memref<128x128xf32, #tpu.memory_space<hbm>>) target(%dma_start3A_95 : memref<128x128xf32, #tpu.memory_space<vmem>>) target_semaphore(%arg8 : memref<!tpu.dma_semaphore, #tpu.memory_space<semaphore_mem>>)
    } else {
    }
    %gt3A_65 = arith.constant 312 : i32
    %gt3A_66 = arith.cmpi sgt, %add3A_57, %gt3A_65 : i32
    %lt3A_67 = arith.constant 625 : i32
    %lt3A_68 = arith.cmpi slt, %add3A_57, %lt3A_67 : i32
    %and3A_69 = arith.andi %gt3A_66, %lt3A_68 : i1
    %and3A_70 = arith.constant true
    %and3A_71 = arith.andi %and3A_69, %and3A_70 : i1
    %convert_element_type3A_72 = arith.extui %and3A_71 : i1 to i32
    %cond3A_73 = arith.constant 0 : i32
    %cond3A_74 = arith.cmpi ne, %convert_element_type3A_72, %cond3A_73 : i32
    scf.if %cond3A_74 {
      %mul3A_84 = arith.constant 128 : i32
      %mul3A_85 = arith.muli %add3A_57, %mul3A_84 : i32
      %sub3A_86 = arith.constant 40000 : i32
      %sub3A_87 = arith.subi %mul3A_85, %sub3A_86 : i32
      %dma_start3A = arith.constant 2 : i32
      %dma_start3A_88 = arith.constant 0 : i32
      %dma_start3A_89 = arith.constant 0 : i32
      %dma_start3A_90 = tpu.memref_slice %arg7[%dma_start3A, %dma_start3A_88, %dma_start3A_89] : memref<4x128x128xf32, #tpu.memory_space<vmem>> -> memref<1x128x128xf32, #tpu.memory_space<vmem>>
      %dma_start3A_91 = tpu.memref_squeeze %dma_start3A_90 : memref<1x128x128xf32, #tpu.memory_space<vmem>> -> memref<128x128xf32, #tpu.memory_space<vmem>>
      %dma_start3A_92 = arith.constant 0 : i32
      %dma_start3A_93 = tpu.memref_slice %arg3[%sub3A_87, %dma_start3A_92] : memref<40000x128xf32, #tpu.memory_space<hbm>> -> memref<128x128xf32, #tpu.memory_space<hbm>>
      %dma_start3A_94 = arith.constant 0 : i32
      %dma_start3A_95 = arith.constant 0 : i32
      %dma_start3A_96 = tpu.memref_slice %arg7[%dma_start3A, %dma_start3A_94, %dma_start3A_95] : memref<4x128x128xf32, #tpu.memory_space<vmem>> -> memref<1x128x128xf32, #tpu.memory_space<vmem>>
      %dma_start3A_97 = tpu.memref_squeeze %dma_start3A_96 : memref<1x128x128xf32, #tpu.memory_space<vmem>> -> memref<128x128xf32, #tpu.memory_space<vmem>>
      %dma_start3A_98 = arith.constant 0 : i32
      %dma_start3A_99 = tpu.memref_slice %arg3[%sub3A_87, %dma_start3A_98] : memref<40000x128xf32, #tpu.memory_space<hbm>> -> memref<128x128xf32, #tpu.memory_space<hbm>>
      tpu.enqueue_dma source(%dma_start3A_99 : memref<128x128xf32, #tpu.memory_space<hbm>>) target(%dma_start3A_97 : memref<128x128xf32, #tpu.memory_space<vmem>>) target_semaphore(%arg8 : memref<!tpu.dma_semaphore, #tpu.memory_space<semaphore_mem>>)
    } else {
    }
    %scan3A = arith.constant 0 : i32
    %scan3A_75 = arith.constant 0 : i32
    %scan3A_76 = arith.constant 20 : i32
    %scan3A_77 = arith.addi %scan3A_75, %scan3A_76 : i32
    %scan3A_78 = arith.constant 1 : i32
    scf.for %scan3A_84 = %scan3A_75 to %scan3A_77 step %scan3A_78  : i32 {
      %add3A_85 = arith.addi %mul3A_2, %scan3A_84 : i32
      %add3A_86 = arith.constant 4 : i32
      %add3A_87 = arith.addi %scan3A_84, %add3A_86 : i32
      %sub3A_88 = arith.constant 1 : i32
      %sub3A_89 = arith.subi %add3A_87, %sub3A_88 : i32
      %add3A_90 = arith.addi %mul3A_2, %sub3A_89 : i32
      %jit3A_91 = arith.constant 4 : i32
      %eq3A_92 = arith.constant 0 : i32
      %eq3A_93 = arith.cmpi eq, %jit3A_91, %eq3A_92 : i32
      %jit3A_94 = arith.constant 1 : i32
      %select_n3A_95 = arith.select %eq3A_93, %jit3A_94, %jit3A_91 : i32
      %rem3A_96 = arith.remsi %sub3A_89, %select_n3A_95 : i32
      %ne3A_97 = arith.constant 0 : i32
      %ne3A_98 = arith.cmpi ne, %rem3A_96, %ne3A_97 : i32
      %lt3A_99 = arith.constant 0 : i32
      %lt3A_100 = arith.cmpi slt, %rem3A_96, %lt3A_99 : i32
      %lt3A_101 = arith.constant 0 : i32
      %lt3A_102 = arith.cmpi slt, %select_n3A_95, %lt3A_101 : i32
      %ne3A_103 = arith.xori %lt3A_100, %lt3A_102 : i1
      %and3A_104 = arith.andi %ne3A_103, %ne3A_98 : i1
      %add3A_105 = arith.addi %rem3A_96, %select_n3A_95 : i32
      %select_n3A_106 = arith.select %and3A_104, %add3A_105, %rem3A_96 : i32
      %lt3A_107 = arith.constant 20 : i32
      %lt3A_108 = arith.cmpi slt, %sub3A_89, %lt3A_107 : i32
      %lt3A_109 = arith.constant 312 : i32
      %lt3A_110 = arith.cmpi slt, %add3A_90, %lt3A_109 : i32
      %and3A_111 = arith.andi %lt3A_110, %lt3A_108 : i1
      %convert_element_type3A_112 = arith.extui %and3A_111 : i1 to i32
      %cond3A_113 = arith.constant 0 : i32
      %cond3A_114 = arith.cmpi ne, %convert_element_type3A_112, %cond3A_113 : i32
      scf.if %cond3A_114 {
        %mul3A_132 = arith.constant 128 : i32
        %mul3A_133 = arith.muli %add3A_90, %mul3A_132 : i32
        %dma_start3A = arith.constant 0 : i32
        %dma_start3A_134 = arith.constant 0 : i32
        %dma_start3A_135 = tpu.memref_slice %arg7[%select_n3A_106, %dma_start3A, %dma_start3A_134] : memref<4x128x128xf32, #tpu.memory_space<vmem>> -> memref<1x128x128xf32, #tpu.memory_space<vmem>>
        %dma_start3A_136 = tpu.memref_squeeze %dma_start3A_135 : memref<1x128x128xf32, #tpu.memory_space<vmem>> -> memref<128x128xf32, #tpu.memory_space<vmem>>
        %dma_start3A_137 = arith.constant 0 : i32
        %dma_start3A_138 = tpu.memref_slice %arg2[%mul3A_133, %dma_start3A_137] : memref<40000x128xf32, #tpu.memory_space<hbm>> -> memref<128x128xf32, #tpu.memory_space<hbm>>
        %dma_start3A_139 = arith.constant 0 : i32
        %dma_start3A_140 = arith.constant 0 : i32
        %dma_start3A_141 = tpu.memref_slice %arg7[%select_n3A_106, %dma_start3A_139, %dma_start3A_140] : memref<4x128x128xf32, #tpu.memory_space<vmem>> -> memref<1x128x128xf32, #tpu.memory_space<vmem>>
        %dma_start3A_142 = tpu.memref_squeeze %dma_start3A_141 : memref<1x128x128xf32, #tpu.memory_space<vmem>> -> memref<128x128xf32, #tpu.memory_space<vmem>>
        %dma_start3A_143 = arith.constant 0 : i32
        %dma_start3A_144 = tpu.memref_slice %arg2[%mul3A_133, %dma_start3A_143] : memref<40000x128xf32, #tpu.memory_space<hbm>> -> memref<128x128xf32, #tpu.memory_space<hbm>>
        tpu.enqueue_dma source(%dma_start3A_144 : memref<128x128xf32, #tpu.memory_space<hbm>>) target(%dma_start3A_142 : memref<128x128xf32, #tpu.memory_space<vmem>>) target_semaphore(%arg8 : memref<!tpu.dma_semaphore, #tpu.memory_space<semaphore_mem>>)
      } else {
      }
      %gt3A_115 = arith.constant 312 : i32
      %gt3A_116 = arith.cmpi sgt, %add3A_90, %gt3A_115 : i32
      %lt3A_117 = arith.constant 625 : i32
      %lt3A_118 = arith.cmpi slt, %add3A_90, %lt3A_117 : i32
      %and3A_119 = arith.andi %gt3A_116, %lt3A_118 : i1
      %and3A_120 = arith.andi %and3A_119, %lt3A_108 : i1
      %convert_element_type3A_121 = arith.extui %and3A_120 : i1 to i32
      %cond3A_122 = arith.constant 0 : i32
      %cond3A_123 = arith.cmpi ne, %convert_element_type3A_121, %cond3A_122 : i32
      scf.if %cond3A_123 {
        %mul3A_132 = arith.constant 128 : i32
        %mul3A_133 = arith.muli %add3A_90, %mul3A_132 : i32
        %sub3A_134 = arith.constant 40000 : i32
        %sub3A_135 = arith.subi %mul3A_133, %sub3A_134 : i32
        %dma_start3A = arith.constant 0 : i32
        %dma_start3A_136 = arith.constant 0 : i32
        %dma_start3A_137 = tpu.memref_slice %arg7[%select_n3A_106, %dma_start3A, %dma_start3A_136] : memref<4x128x128xf32, #tpu.memory_space<vmem>> -> memref<1x128x128xf32, #tpu.memory_space<vmem>>
        %dma_start3A_138 = tpu.memref_squeeze %dma_start3A_137 : memref<1x128x128xf32, #tpu.memory_space<vmem>> -> memref<128x128xf32, #tpu.memory_space<vmem>>
        %dma_start3A_139 = arith.constant 0 : i32
        %dma_start3A_140 = tpu.memref_slice %arg3[%sub3A_135, %dma_start3A_139] : memref<40000x128xf32, #tpu.memory_space<hbm>> -> memref<128x128xf32, #tpu.memory_space<hbm>>
        %dma_start3A_141 = arith.constant 0 : i32
        %dma_start3A_142 = arith.constant 0 : i32
        %dma_start3A_143 = tpu.memref_slice %arg7[%select_n3A_106, %dma_start3A_141, %dma_start3A_142] : memref<4x128x128xf32, #tpu.memory_space<vmem>> -> memref<1x128x128xf32, #tpu.memory_space<vmem>>
        %dma_start3A_144 = tpu.memref_squeeze %dma_start3A_143 : memref<1x128x128xf32, #tpu.memory_space<vmem>> -> memref<128x128xf32, #tpu.memory_space<vmem>>
        %dma_start3A_145 = arith.constant 0 : i32
        %dma_start3A_146 = tpu.memref_slice %arg3[%sub3A_135, %dma_start3A_145] : memref<40000x128xf32, #tpu.memory_space<hbm>> -> memref<128x128xf32, #tpu.memory_space<hbm>>
        tpu.enqueue_dma source(%dma_start3A_146 : memref<128x128xf32, #tpu.memory_space<hbm>>) target(%dma_start3A_144 : memref<128x128xf32, #tpu.memory_space<vmem>>) target_semaphore(%arg8 : memref<!tpu.dma_semaphore, #tpu.memory_space<semaphore_mem>>)
      } else {
      }
      %lt3A_124 = arith.constant 625 : i32
      %lt3A_125 = arith.cmpi slt, %add3A_85, %lt3A_124 : i32
      %ne3A_126 = arith.constant 312 : i32
      %ne3A_127 = arith.cmpi ne, %add3A_85, %ne3A_126 : i32
      %and3A_128 = arith.andi %lt3A_125, %ne3A_127 : i1
      %convert_element_type3A_129 = arith.extui %and3A_128 : i1 to i32
      %cond3A_130 = arith.constant 0 : i32
      %cond3A_131 = arith.cmpi ne, %convert_element_type3A_129, %cond3A_130 : i32
      scf.if %cond3A_131 {
        %jit3A_132 = arith.constant 4 : i32
        %eq3A_133 = arith.constant 0 : i32
        %eq3A_134 = arith.cmpi eq, %jit3A_132, %eq3A_133 : i32
        %jit3A_135 = arith.constant 1 : i32
        %select_n3A_136 = arith.select %eq3A_134, %jit3A_135, %jit3A_132 : i32
        %rem3A_137 = arith.remsi %scan3A_84, %select_n3A_136 : i32
        %ne3A_138 = arith.constant 0 : i32
        %ne3A_139 = arith.cmpi ne, %rem3A_137, %ne3A_138 : i32
        %lt3A_140 = arith.constant 0 : i32
        %lt3A_141 = arith.cmpi slt, %rem3A_137, %lt3A_140 : i32
        %lt3A_142 = arith.constant 0 : i32
        %lt3A_143 = arith.cmpi slt, %select_n3A_136, %lt3A_142 : i32
        %ne3A_144 = arith.xori %lt3A_141, %lt3A_143 : i1
        %and3A_145 = arith.andi %ne3A_144, %ne3A_139 : i1
        %add3A_146 = arith.addi %rem3A_137, %select_n3A_136 : i32
        %select_n3A_147 = arith.select %and3A_145, %add3A_146, %rem3A_137 : i32
        %dma_wait3A = arith.constant 0 : i32
        %dma_wait3A_148 = arith.constant 0 : i32
        %dma_wait3A_149 = tpu.memref_slice %arg7[%select_n3A_147, %dma_wait3A, %dma_wait3A_148] : memref<4x128x128xf32, #tpu.memory_space<vmem>> -> memref<1x128x128xf32, #tpu.memory_space<vmem>>
        %dma_wait3A_150 = tpu.memref_squeeze %dma_wait3A_149 : memref<1x128x128xf32, #tpu.memory_space<vmem>> -> memref<128x128xf32, #tpu.memory_space<vmem>>
        %dma_wait3A_151 = arith.constant 0 : i32
        %dma_wait3A_152 = arith.constant 0 : i32
        %dma_wait3A_153 = tpu.memref_slice %arg2[%dma_wait3A_151, %dma_wait3A_152] : memref<40000x128xf32, #tpu.memory_space<hbm>> -> memref<128x128xf32, #tpu.memory_space<hbm>>
        %dma_wait3A_154 = arith.constant 0 : i32
        %dma_wait3A_155 = arith.constant 0 : i32
        %dma_wait3A_156 = tpu.memref_slice %arg7[%select_n3A_147, %dma_wait3A_154, %dma_wait3A_155] : memref<4x128x128xf32, #tpu.memory_space<vmem>> -> memref<1x128x128xf32, #tpu.memory_space<vmem>>
        %dma_wait3A_157 = tpu.memref_squeeze %dma_wait3A_156 : memref<1x128x128xf32, #tpu.memory_space<vmem>> -> memref<128x128xf32, #tpu.memory_space<vmem>>
        %dma_wait3A_158 = arith.constant 0 : i32
        %dma_wait3A_159 = arith.constant 0 : i32
        %dma_wait3A_160 = tpu.memref_slice %arg2[%dma_wait3A_158, %dma_wait3A_159] : memref<40000x128xf32, #tpu.memory_space<hbm>> -> memref<128x128xf32, #tpu.memory_space<hbm>>
        tpu.wait_dma2 semaphore(%arg8 : memref<!tpu.dma_semaphore, #tpu.memory_space<semaphore_mem>>) src(%dma_wait3A_160 : memref<128x128xf32, #tpu.memory_space<hbm>>) dst(%dma_wait3A_157 : memref<128x128xf32, #tpu.memory_space<vmem>>)
        %jit3A_161 = arith.constant 4 : i32
        %eq3A_162 = arith.constant 0 : i32
        %eq3A_163 = arith.cmpi eq, %jit3A_161, %eq3A_162 : i32
        %jit3A_164 = arith.constant 1 : i32
        %select_n3A_165 = arith.select %eq3A_163, %jit3A_164, %jit3A_161 : i32
        %rem3A_166 = arith.remsi %scan3A_84, %select_n3A_165 : i32
        %ne3A_167 = arith.constant 0 : i32
        %ne3A_168 = arith.cmpi ne, %rem3A_166, %ne3A_167 : i32
        %lt3A_169 = arith.constant 0 : i32
        %lt3A_170 = arith.cmpi slt, %rem3A_166, %lt3A_169 : i32
        %lt3A_171 = arith.constant 0 : i32
        %lt3A_172 = arith.cmpi slt, %select_n3A_165, %lt3A_171 : i32
        %ne3A_173 = arith.xori %lt3A_170, %lt3A_172 : i1
        %and3A_174 = arith.andi %ne3A_173, %ne3A_168 : i1
        %add3A_175 = arith.addi %rem3A_166, %select_n3A_165 : i32
        %select_n3A_176 = arith.select %and3A_174, %add3A_175, %rem3A_166 : i32
        %add3A_177 = arith.addi %sub3A_21, %scan3A_84 : i32
        "tpu.region"() ({
          %run_scoped3A = tpu.sem_alloc : memref<!tpu.dma_semaphore, #tpu.memory_space<semaphore_mem>>
          %dma_start3A = arith.constant 0 : i32
          %dma_start3A_178 = arith.constant 0 : i32
          %dma_start3A_179 = tpu.memref_slice %arg7[%select_n3A_176, %dma_start3A, %dma_start3A_178] : memref<4x128x128xf32, #tpu.memory_space<vmem>> -> memref<1x128x128xf32, #tpu.memory_space<vmem>>
          %dma_start3A_180 = tpu.memref_squeeze %dma_start3A_179 : memref<1x128x128xf32, #tpu.memory_space<vmem>> -> memref<128x128xf32, #tpu.memory_space<vmem>>
          %dma_start3A_181 = arith.constant 0 : i32
          %dma_start3A_182 = tpu.memref_slice %arg6[%add3A_177, %dma_start3A_181] : memref<32x128xi32, #tpu.memory_space<vmem>> -> memref<1x128xi32, #tpu.memory_space<vmem>>
          %dma_start3A_183 = tpu.memref_squeeze %dma_start3A_182 : memref<1x128xi32, #tpu.memory_space<vmem>> -> memref<128xi32, #tpu.memory_space<vmem>>
          %dma_start3A_184 = arith.constant 0 : i32
          %dma_start3A_185 = arith.constant 0 : i32
          %dma_start3A_186 = tpu.memref_slice %arg5[%dma_start3A_184, %dma_start3A_185] : memref<80000x128xf32, #tpu.memory_space<hbm>> -> memref<80000x128xf32, #tpu.memory_space<hbm>>
          tpu.enqueue_indirect_dma source(%dma_start3A_180 : memref<128x128xf32, #tpu.memory_space<vmem>>) target(%dma_start3A_186 : memref<80000x128xf32, #tpu.memory_space<hbm>>) offsets(%dma_start3A_183 : memref<128xi32, #tpu.memory_space<vmem>>) semaphore(%run_scoped3A : memref<!tpu.dma_semaphore, #tpu.memory_space<semaphore_mem>>)
          %dma_wait3A_187 = arith.constant 0 : i32
          %dma_wait3A_188 = arith.constant 0 : i32
          %dma_wait3A_189 = tpu.memref_slice %arg7[%select_n3A_176, %dma_wait3A_187, %dma_wait3A_188] : memref<4x128x128xf32, #tpu.memory_space<vmem>> -> memref<1x128x128xf32, #tpu.memory_space<vmem>>
          %dma_wait3A_190 = tpu.memref_squeeze %dma_wait3A_189 : memref<1x128x128xf32, #tpu.memory_space<vmem>> -> memref<128x128xf32, #tpu.memory_space<vmem>>
          %dma_wait3A_191 = arith.constant 0 : i32
          %dma_wait3A_192 = tpu.memref_slice %arg6[%add3A_177, %dma_wait3A_191] : memref<32x128xi32, #tpu.memory_space<vmem>> -> memref<1x128xi32, #tpu.memory_space<vmem>>
          %dma_wait3A_193 = tpu.memref_squeeze %dma_wait3A_192 : memref<1x128xi32, #tpu.memory_space<vmem>> -> memref<128xi32, #tpu.memory_space<vmem>>
          %dma_wait3A_194 = arith.constant 0 : i32
          %dma_wait3A_195 = arith.constant 0 : i32
          %dma_wait3A_196 = tpu.memref_slice %arg5[%dma_wait3A_194, %dma_wait3A_195] : memref<80000x128xf32, #tpu.memory_space<hbm>> -> memref<80000x128xf32, #tpu.memory_space<hbm>>
          tpu.wait_indirect_dma semaphore(%run_scoped3A : memref<!tpu.dma_semaphore, #tpu.memory_space<semaphore_mem>>) src(%dma_wait3A_190 : memref<128x128xf32, #tpu.memory_space<vmem>>) dst(%dma_wait3A_196 : memref<80000x128xf32, #tpu.memory_space<hbm>>)
          tpu.yield
        }) : () -> ()
      } else {
      }
    }
    %scan3A_79 = arith.constant 20 : i32
    %eq3A = arith.constant 15 : i32
    %eq3A_80 = arith.cmpi eq, %add3A, %eq3A : i32
    %convert_element_type3A_81 = arith.extui %eq3A_80 : i1 to i32
    %cond3A_82 = arith.constant 0 : i32
    %cond3A_83 = arith.cmpi ne, %convert_element_type3A_81, %cond3A_82 : i32
    scf.if %cond3A_83 {
      %run_scoped3A = arith.constant 0 : i32
      "tpu.region"() ({
        %run_scoped3A_88 = tpu.sem_alloc : memref<!tpu.dma_semaphore, #tpu.memory_space<semaphore_mem>>
        %dma_start3A = arith.constant 0 : i32
        %dma_start3A_89 = arith.constant 0 : i32
        %dma_start3A_90 = tpu.memref_slice %arg7[%run_scoped3A, %dma_start3A, %dma_start3A_89] : memref<4x128x128xf32, #tpu.memory_space<vmem>> -> memref<1x64x128xf32, #tpu.memory_space<vmem>>
        %dma_start3A_91 = tpu.memref_squeeze %dma_start3A_90 : memref<1x64x128xf32, #tpu.memory_space<vmem>> -> memref<64x128xf32, #tpu.memory_space<vmem>>
        %dma_start3A_92 = arith.constant 39936 : i32
        %dma_start3A_93 = arith.constant 0 : i32
        %dma_start3A_94 = tpu.memref_slice %arg2[%dma_start3A_92, %dma_start3A_93] : memref<40000x128xf32, #tpu.memory_space<hbm>> -> memref<64x128xf32, #tpu.memory_space<hbm>>
        %dma_start3A_95 = arith.constant 0 : i32
        %dma_start3A_96 = arith.constant 0 : i32
        %dma_start3A_97 = tpu.memref_slice %arg7[%run_scoped3A, %dma_start3A_95, %dma_start3A_96] : memref<4x128x128xf32, #tpu.memory_space<vmem>> -> memref<1x64x128xf32, #tpu.memory_space<vmem>>
        %dma_start3A_98 = tpu.memref_squeeze %dma_start3A_97 : memref<1x64x128xf32, #tpu.memory_space<vmem>> -> memref<64x128xf32, #tpu.memory_space<vmem>>
        %dma_start3A_99 = arith.constant 39936 : i32
        %dma_start3A_100 = arith.constant 0 : i32
        %dma_start3A_101 = tpu.memref_slice %arg2[%dma_start3A_99, %dma_start3A_100] : memref<40000x128xf32, #tpu.memory_space<hbm>> -> memref<64x128xf32, #tpu.memory_space<hbm>>
        tpu.enqueue_dma source(%dma_start3A_101 : memref<64x128xf32, #tpu.memory_space<hbm>>) target(%dma_start3A_98 : memref<64x128xf32, #tpu.memory_space<vmem>>) target_semaphore(%run_scoped3A_88 : memref<!tpu.dma_semaphore, #tpu.memory_space<semaphore_mem>>)
        %dma_wait3A = arith.constant 0 : i32
        %dma_wait3A_102 = arith.constant 0 : i32
        %dma_wait3A_103 = tpu.memref_slice %arg7[%run_scoped3A, %dma_wait3A, %dma_wait3A_102] : memref<4x128x128xf32, #tpu.memory_space<vmem>> -> memref<1x64x128xf32, #tpu.memory_space<vmem>>
        %dma_wait3A_104 = tpu.memref_squeeze %dma_wait3A_103 : memref<1x64x128xf32, #tpu.memory_space<vmem>> -> memref<64x128xf32, #tpu.memory_space<vmem>>
        %dma_wait3A_105 = arith.constant 39936 : i32
        %dma_wait3A_106 = arith.constant 0 : i32
        %dma_wait3A_107 = tpu.memref_slice %arg2[%dma_wait3A_105, %dma_wait3A_106] : memref<40000x128xf32, #tpu.memory_space<hbm>> -> memref<64x128xf32, #tpu.memory_space<hbm>>
        %dma_wait3A_108 = arith.constant 0 : i32
        %dma_wait3A_109 = arith.constant 0 : i32
        %dma_wait3A_110 = tpu.memref_slice %arg7[%run_scoped3A, %dma_wait3A_108, %dma_wait3A_109] : memref<4x128x128xf32, #tpu.memory_space<vmem>> -> memref<1x64x128xf32, #tpu.memory_space<vmem>>
        %dma_wait3A_111 = tpu.memref_squeeze %dma_wait3A_110 : memref<1x64x128xf32, #tpu.memory_space<vmem>> -> memref<64x128xf32, #tpu.memory_space<vmem>>
        %dma_wait3A_112 = arith.constant 39936 : i32
        %dma_wait3A_113 = arith.constant 0 : i32
        %dma_wait3A_114 = tpu.memref_slice %arg2[%dma_wait3A_112, %dma_wait3A_113] : memref<40000x128xf32, #tpu.memory_space<hbm>> -> memref<64x128xf32, #tpu.memory_space<hbm>>
        tpu.wait_dma2 semaphore(%run_scoped3A_88 : memref<!tpu.dma_semaphore, #tpu.memory_space<semaphore_mem>>) src(%dma_wait3A_114 : memref<64x128xf32, #tpu.memory_space<hbm>>) dst(%dma_wait3A_111 : memref<64x128xf32, #tpu.memory_space<vmem>>)
        tpu.yield
      }) : () -> ()
      %run_scoped3A_84 = arith.constant 0 : i32
      "tpu.region"() ({
        %run_scoped3A_88 = tpu.sem_alloc : memref<!tpu.dma_semaphore, #tpu.memory_space<semaphore_mem>>
        %dma_start3A = arith.constant 64 : i32
        %dma_start3A_89 = arith.constant 0 : i32
        %dma_start3A_90 = tpu.memref_slice %arg7[%run_scoped3A_84, %dma_start3A, %dma_start3A_89] : memref<4x128x128xf32, #tpu.memory_space<vmem>> -> memref<1x64x128xf32, #tpu.memory_space<vmem>>
        %dma_start3A_91 = tpu.memref_squeeze %dma_start3A_90 : memref<1x64x128xf32, #tpu.memory_space<vmem>> -> memref<64x128xf32, #tpu.memory_space<vmem>>
        %dma_start3A_92 = arith.constant 0 : i32
        %dma_start3A_93 = arith.constant 0 : i32
        %dma_start3A_94 = tpu.memref_slice %arg3[%dma_start3A_92, %dma_start3A_93] : memref<40000x128xf32, #tpu.memory_space<hbm>> -> memref<64x128xf32, #tpu.memory_space<hbm>>
        %dma_start3A_95 = arith.constant 64 : i32
        %dma_start3A_96 = arith.constant 0 : i32
        %dma_start3A_97 = tpu.memref_slice %arg7[%run_scoped3A_84, %dma_start3A_95, %dma_start3A_96] : memref<4x128x128xf32, #tpu.memory_space<vmem>> -> memref<1x64x128xf32, #tpu.memory_space<vmem>>
        %dma_start3A_98 = tpu.memref_squeeze %dma_start3A_97 : memref<1x64x128xf32, #tpu.memory_space<vmem>> -> memref<64x128xf32, #tpu.memory_space<vmem>>
        %dma_start3A_99 = arith.constant 0 : i32
        %dma_start3A_100 = arith.constant 0 : i32
        %dma_start3A_101 = tpu.memref_slice %arg3[%dma_start3A_99, %dma_start3A_100] : memref<40000x128xf32, #tpu.memory_space<hbm>> -> memref<64x128xf32, #tpu.memory_space<hbm>>
        tpu.enqueue_dma source(%dma_start3A_101 : memref<64x128xf32, #tpu.memory_space<hbm>>) target(%dma_start3A_98 : memref<64x128xf32, #tpu.memory_space<vmem>>) target_semaphore(%run_scoped3A_88 : memref<!tpu.dma_semaphore, #tpu.memory_space<semaphore_mem>>)
        %dma_wait3A = arith.constant 64 : i32
        %dma_wait3A_102 = arith.constant 0 : i32
        %dma_wait3A_103 = tpu.memref_slice %arg7[%run_scoped3A_84, %dma_wait3A, %dma_wait3A_102] : memref<4x128x128xf32, #tpu.memory_space<vmem>> -> memref<1x64x128xf32, #tpu.memory_space<vmem>>
        %dma_wait3A_104 = tpu.memref_squeeze %dma_wait3A_103 : memref<1x64x128xf32, #tpu.memory_space<vmem>> -> memref<64x128xf32, #tpu.memory_space<vmem>>
        %dma_wait3A_105 = arith.constant 0 : i32
        %dma_wait3A_106 = arith.constant 0 : i32
        %dma_wait3A_107 = tpu.memref_slice %arg3[%dma_wait3A_105, %dma_wait3A_106] : memref<40000x128xf32, #tpu.memory_space<hbm>> -> memref<64x128xf32, #tpu.memory_space<hbm>>
        %dma_wait3A_108 = arith.constant 64 : i32
        %dma_wait3A_109 = arith.constant 0 : i32
        %dma_wait3A_110 = tpu.memref_slice %arg7[%run_scoped3A_84, %dma_wait3A_108, %dma_wait3A_109] : memref<4x128x128xf32, #tpu.memory_space<vmem>> -> memref<1x64x128xf32, #tpu.memory_space<vmem>>
        %dma_wait3A_111 = tpu.memref_squeeze %dma_wait3A_110 : memref<1x64x128xf32, #tpu.memory_space<vmem>> -> memref<64x128xf32, #tpu.memory_space<vmem>>
        %dma_wait3A_112 = arith.constant 0 : i32
        %dma_wait3A_113 = arith.constant 0 : i32
        %dma_wait3A_114 = tpu.memref_slice %arg3[%dma_wait3A_112, %dma_wait3A_113] : memref<40000x128xf32, #tpu.memory_space<hbm>> -> memref<64x128xf32, #tpu.memory_space<hbm>>
        tpu.wait_dma2 semaphore(%run_scoped3A_88 : memref<!tpu.dma_semaphore, #tpu.memory_space<semaphore_mem>>) src(%dma_wait3A_114 : memref<64x128xf32, #tpu.memory_space<hbm>>) dst(%dma_wait3A_111 : memref<64x128xf32, #tpu.memory_space<vmem>>)
        tpu.yield
      }) : () -> ()
      %add3A_85 = arith.constant 12 : i32
      %add3A_86 = arith.addi %sub3A_21, %add3A_85 : i32
      %run_scoped3A_87 = arith.constant 0 : i32
      "tpu.region"() ({
        %run_scoped3A_88 = tpu.sem_alloc : memref<!tpu.dma_semaphore, #tpu.memory_space<semaphore_mem>>
        %dma_start3A = arith.constant 0 : i32
        %dma_start3A_89 = arith.constant 0 : i32
        %dma_start3A_90 = tpu.memref_slice %arg7[%run_scoped3A_87, %dma_start3A, %dma_start3A_89] : memref<4x128x128xf32, #tpu.memory_space<vmem>> -> memref<1x128x128xf32, #tpu.memory_space<vmem>>
        %dma_start3A_91 = tpu.memref_squeeze %dma_start3A_90 : memref<1x128x128xf32, #tpu.memory_space<vmem>> -> memref<128x128xf32, #tpu.memory_space<vmem>>
        %dma_start3A_92 = arith.constant 0 : i32
        %dma_start3A_93 = tpu.memref_slice %arg6[%add3A_86, %dma_start3A_92] : memref<32x128xi32, #tpu.memory_space<vmem>> -> memref<1x128xi32, #tpu.memory_space<vmem>>
        %dma_start3A_94 = tpu.memref_squeeze %dma_start3A_93 : memref<1x128xi32, #tpu.memory_space<vmem>> -> memref<128xi32, #tpu.memory_space<vmem>>
        %dma_start3A_95 = arith.constant 0 : i32
        %dma_start3A_96 = arith.constant 0 : i32
        %dma_start3A_97 = tpu.memref_slice %arg5[%dma_start3A_95, %dma_start3A_96] : memref<80000x128xf32, #tpu.memory_space<hbm>> -> memref<80000x128xf32, #tpu.memory_space<hbm>>
        tpu.enqueue_indirect_dma source(%dma_start3A_91 : memref<128x128xf32, #tpu.memory_space<vmem>>) target(%dma_start3A_97 : memref<80000x128xf32, #tpu.memory_space<hbm>>) offsets(%dma_start3A_94 : memref<128xi32, #tpu.memory_space<vmem>>) semaphore(%run_scoped3A_88 : memref<!tpu.dma_semaphore, #tpu.memory_space<semaphore_mem>>)
        %dma_wait3A = arith.constant 0 : i32
        %dma_wait3A_98 = arith.constant 0 : i32
        %dma_wait3A_99 = tpu.memref_slice %arg7[%run_scoped3A_87, %dma_wait3A, %dma_wait3A_98] : memref<4x128x128xf32, #tpu.memory_space<vmem>> -> memref<1x128x128xf32, #tpu.memory_space<vmem>>
        %dma_wait3A_100 = tpu.memref_squeeze %dma_wait3A_99 : memref<1x128x128xf32, #tpu.memory_space<vmem>> -> memref<128x128xf32, #tpu.memory_space<vmem>>
        %dma_wait3A_101 = arith.constant 0 : i32
        %dma_wait3A_102 = tpu.memref_slice %arg6[%add3A_86, %dma_wait3A_101] : memref<32x128xi32, #tpu.memory_space<vmem>> -> memref<1x128xi32, #tpu.memory_space<vmem>>
        %dma_wait3A_103 = tpu.memref_squeeze %dma_wait3A_102 : memref<1x128xi32, #tpu.memory_space<vmem>> -> memref<128xi32, #tpu.memory_space<vmem>>
        %dma_wait3A_104 = arith.constant 0 : i32
        %dma_wait3A_105 = arith.constant 0 : i32
        %dma_wait3A_106 = tpu.memref_slice %arg5[%dma_wait3A_104, %dma_wait3A_105] : memref<80000x128xf32, #tpu.memory_space<hbm>> -> memref<80000x128xf32, #tpu.memory_space<hbm>>
        tpu.wait_indirect_dma semaphore(%run_scoped3A_88 : memref<!tpu.dma_semaphore, #tpu.memory_space<semaphore_mem>>) src(%dma_wait3A_100 : memref<128x128xf32, #tpu.memory_space<vmem>>) dst(%dma_wait3A_106 : memref<80000x128xf32, #tpu.memory_space<hbm>>)
        tpu.yield
      }) : () -> ()
    } else {
    }
    return
  }
}

module attributes {stable_mosaic.version = 14 : i64} {
  func.func @body(%arg0: i32, %arg1: i32, %arg2: memref<1x10240x128xf32, #tpu.memory_space<vmem>>, %arg3: memref<128x128xbf16, #tpu.memory_space<vmem>>, %arg4: memref<128x128xbf16, #tpu.memory_space<vmem>>, %arg5: memref<128x128xbf16, #tpu.memory_space<vmem>>, %arg6: memref<1x128xf32, #tpu.memory_space<vmem>>, %arg7: memref<1x128xf32, #tpu.memory_space<vmem>>, %arg8: memref<128x128xbf16, #tpu.memory_space<vmem>>, %arg9: memref<128x128xbf16, #tpu.memory_space<vmem>>, %arg10: memref<128x128xbf16, #tpu.memory_space<vmem>>, %arg11: memref<1x128xf32, #tpu.memory_space<vmem>>, %arg12: memref<1x128xf32, #tpu.memory_space<vmem>>, %arg13: memref<1x128xf32, #tpu.memory_space<vmem>>, %arg14: memref<1x128xf32, #tpu.memory_space<vmem>>, %arg15: memref<1x2000x128xf32, #tpu.memory_space<vmem>>) attributes {dimension_semantics = [#tpu.dimension_semantics<arbitrary>, #tpu.dimension_semantics<arbitrary>], iteration_bounds = array<i64: 4, 5>, scalar_prefetch = 0 : i64, scratch_operands = 0 : i64, tpu.core_type = #tpu.core_type<tc>, window_params = [{transform_indices = @transform_0, window_bounds = array<i64: 1, 10240, 128>}, {pipeline_mode = #tpu.pipeline_mode<synchronous>, transform_indices = @transform_1, window_bounds = array<i64: 128, 128>}, {pipeline_mode = #tpu.pipeline_mode<synchronous>, transform_indices = @transform_2, window_bounds = array<i64: 128, 128>}, {pipeline_mode = #tpu.pipeline_mode<synchronous>, transform_indices = @transform_3, window_bounds = array<i64: 128, 128>}, {pipeline_mode = #tpu.pipeline_mode<synchronous>, transform_indices = @transform_4, window_bounds = array<i64: 1, 128>}, {pipeline_mode = #tpu.pipeline_mode<synchronous>, transform_indices = @transform_5, window_bounds = array<i64: 1, 128>}, {pipeline_mode = #tpu.pipeline_mode<synchronous>, transform_indices = @transform_6, window_bounds = array<i64: 128, 128>}, {pipeline_mode = #tpu.pipeline_mode<synchronous>, transform_indices = @transform_7, window_bounds = array<i64: 128, 128>}, {pipeline_mode = #tpu.pipeline_mode<synchronous>, transform_indices = @transform_8, window_bounds = array<i64: 128, 128>}, {pipeline_mode = #tpu.pipeline_mode<synchronous>, transform_indices = @transform_9, window_bounds = array<i64: 1, 128>}, {pipeline_mode = #tpu.pipeline_mode<synchronous>, transform_indices = @transform_10, window_bounds = array<i64: 1, 128>}, {pipeline_mode = #tpu.pipeline_mode<synchronous>, transform_indices = @transform_11, window_bounds = array<i64: 1, 128>}, {pipeline_mode = #tpu.pipeline_mode<synchronous>, transform_indices = @transform_12, window_bounds = array<i64: 1, 128>}, {transform_indices = @transform_13, window_bounds = array<i64: 1, 2000, 128>}]} {
    %mul3A = arith.constant 2000 : i32
    %mul3A_0 = arith.muli %arg1, %mul3A : i32
    %get3A = arith.constant 0 : index
    %get3A_1 = arith.index_cast %mul3A_0 : i32 to index
    %get3A_2 = arith.constant 0 : index
    %get3A_3 = vector.load %arg2[%get3A, %get3A_1, %get3A_2] : memref<1x10240x128xf32, #tpu.memory_space<vmem>>, vector<1x2002x128xf32>
    %get3A_4 = vector.shape_cast %get3A_3 : vector<1x2002x128xf32> to vector<2002x128xf32>
    %slice3A = vector.extract_strided_slice %get3A_4 {offsets = [1, 0], sizes = [2000, 128], strides = [1, 1]} : vector<2002x128xf32> to vector<2000x128xf32>
    %convert_element_type3A = arith.truncf %slice3A : vector<2000x128xf32> to vector<2000x128xbf16>
    %convert_element_type3A_5 = arith.truncf %get3A_4 : vector<2002x128xf32> to vector<2002x128xbf16>
    %get3A_6 = arith.constant 0 : index
    %get3A_7 = arith.constant 0 : index
    %get3A_8 = vector.load %arg4[%get3A_6, %get3A_7] : memref<128x128xbf16, #tpu.memory_space<vmem>>, vector<128x128xbf16>
    %dot_general3A = arith.constant dense<0.000000e+00> : vector<2002x128xf32>
    %dot_general3A_9 = tpu.matmul %convert_element_type3A_5, %get3A_8, %dot_general3A {dimension_numbers = #tpu.dot_dimension_numbers<[1], [0], [0], [1], [0, 0, 1, 1], [], []>, transpose_lhs_hint = false} : vector<2002x128xbf16>, vector<128x128xbf16>, vector<2002x128xf32> -> vector<2002x128xf32>
    %get3A_10 = arith.constant 0 : index
    %get3A_11 = arith.constant 0 : index
    %get3A_12 = vector.load %arg3[%get3A_10, %get3A_11] : memref<128x128xbf16, #tpu.memory_space<vmem>>, vector<128x128xbf16>
    %dot_general3A_13 = arith.constant dense<0.000000e+00> : vector<2000x128xf32>
    %dot_general3A_14 = tpu.matmul %convert_element_type3A, %get3A_12, %dot_general3A_13 {dimension_numbers = #tpu.dot_dimension_numbers<[1], [0], [0], [1], [0, 0, 1, 1], [], []>, transpose_lhs_hint = false} : vector<2000x128xbf16>, vector<128x128xbf16>, vector<2000x128xf32> -> vector<2000x128xf32>
    %get3A_15 = arith.constant 0 : index
    %get3A_16 = arith.constant 0 : index
    %get3A_17 = vector.load %arg6[%get3A_15, %get3A_16] : memref<1x128xf32, #tpu.memory_space<vmem>>, vector<1x128xf32>
    %get3A_18 = vector.shape_cast %get3A_17 : vector<1x128xf32> to vector<128xf32>
    %broadcast_in_dim3A = vector.shape_cast %get3A_18 : vector<128xf32> to vector<1x128xf32>
    %add3A = vector.broadcast %broadcast_in_dim3A : vector<1x128xf32> to vector<2000x128xf32>
    %add3A_19 = arith.addf %dot_general3A_14, %add3A : vector<2000x128xf32>
    %slice3A_20 = vector.extract_strided_slice %dot_general3A_9 {offsets = [0, 0], sizes = [2000, 128], strides = [1, 1]} : vector<2002x128xf32> to vector<2000x128xf32>
    %add3A_21 = arith.addf %add3A_19, %slice3A_20 : vector<2000x128xf32>
    %convert_element_type3A_22 = arith.truncf %add3A_21 : vector<2000x128xf32> to vector<2000x128xbf16>
    %slice3A_23 = vector.extract_strided_slice %dot_general3A_9 {offsets = [2, 0], sizes = [2000, 128], strides = [1, 1]} : vector<2002x128xf32> to vector<2000x128xf32>
    %add3A_24 = arith.addf %add3A_19, %slice3A_23 : vector<2000x128xf32>
    %convert_element_type3A_25 = arith.truncf %add3A_24 : vector<2000x128xf32> to vector<2000x128xbf16>
    %mul3A_26 = arith.constant -1.445310e+00 : bf16
    %mul3A_27 = vector.broadcast %mul3A_26 : bf16 to vector<2000x128xbf16>
    %mul3A_28 = arith.mulf %convert_element_type3A_22, %mul3A_27 : vector<2000x128xbf16>
    %exp23A = math.exp2 %mul3A_28 : vector<2000x128xbf16>
    %add3A_29 = arith.constant 1.000000e+00 : bf16
    %add3A_30 = vector.broadcast %add3A_29 : bf16 to vector<2000x128xbf16>
    %add3A_31 = arith.addf %add3A_30, %exp23A : vector<2000x128xbf16>
    %div3A = arith.divf %convert_element_type3A_22, %add3A_31 : vector<2000x128xbf16>
    %mul3A_32 = arith.constant -1.445310e+00 : bf16
    %mul3A_33 = vector.broadcast %mul3A_32 : bf16 to vector<2000x128xbf16>
    %mul3A_34 = arith.mulf %convert_element_type3A_25, %mul3A_33 : vector<2000x128xbf16>
    %exp23A_35 = math.exp2 %mul3A_34 : vector<2000x128xbf16>
    %add3A_36 = arith.constant 1.000000e+00 : bf16
    %add3A_37 = vector.broadcast %add3A_36 : bf16 to vector<2000x128xbf16>
    %add3A_38 = arith.addf %add3A_37, %exp23A_35 : vector<2000x128xbf16>
    %div3A_39 = arith.divf %convert_element_type3A_25, %add3A_38 : vector<2000x128xbf16>
    %add3A_40 = arith.addf %div3A, %div3A_39 : vector<2000x128xbf16>
    %get3A_41 = arith.constant 0 : index
    %get3A_42 = arith.constant 0 : index
    %get3A_43 = vector.load %arg5[%get3A_41, %get3A_42] : memref<128x128xbf16, #tpu.memory_space<vmem>>, vector<128x128xbf16>
    %dot_general3A_44 = arith.constant dense<0.000000e+00> : vector<2000x128xf32>
    %dot_general3A_45 = tpu.matmul %add3A_40, %get3A_43, %dot_general3A_44 {dimension_numbers = #tpu.dot_dimension_numbers<[1], [0], [0], [1], [0, 0, 1, 1], [], []>, transpose_lhs_hint = false} : vector<2000x128xbf16>, vector<128x128xbf16>, vector<2000x128xf32> -> vector<2000x128xf32>
    %get3A_46 = arith.constant 0 : index
    %get3A_47 = arith.constant 0 : index
    %get3A_48 = vector.load %arg7[%get3A_46, %get3A_47] : memref<1x128xf32, #tpu.memory_space<vmem>>, vector<1x128xf32>
    %get3A_49 = vector.shape_cast %get3A_48 : vector<1x128xf32> to vector<128xf32>
    %mul3A_50 = arith.constant 2.000000e+00 : f32
    %mul3A_51 = vector.broadcast %mul3A_50 : f32 to vector<128xf32>
    %mul3A_52 = arith.mulf %mul3A_51, %get3A_49 : vector<128xf32>
    %broadcast_in_dim3A_53 = vector.shape_cast %mul3A_52 : vector<128xf32> to vector<1x128xf32>
    %add3A_54 = vector.broadcast %broadcast_in_dim3A_53 : vector<1x128xf32> to vector<2000x128xf32>
    %add3A_55 = arith.addf %dot_general3A_45, %add3A_54 : vector<2000x128xf32>
    %get3A_56 = arith.constant 0 : index
    %get3A_57 = arith.constant 0 : index
    %get3A_58 = vector.load %arg8[%get3A_56, %get3A_57] : memref<128x128xbf16, #tpu.memory_space<vmem>>, vector<128x128xbf16>
    %dot_general3A_59 = arith.constant dense<0.000000e+00> : vector<2000x128xf32>
    %dot_general3A_60 = tpu.matmul %convert_element_type3A, %get3A_58, %dot_general3A_59 {dimension_numbers = #tpu.dot_dimension_numbers<[1], [0], [0], [1], [0, 0, 1, 1], [], []>, transpose_lhs_hint = false} : vector<2000x128xbf16>, vector<128x128xbf16>, vector<2000x128xf32> -> vector<2000x128xf32>
    %convert_element_type3A_61 = arith.truncf %add3A_55 : vector<2000x128xf32> to vector<2000x128xbf16>
    %get3A_62 = arith.constant 0 : index
    %get3A_63 = arith.constant 0 : index
    %get3A_64 = vector.load %arg9[%get3A_62, %get3A_63] : memref<128x128xbf16, #tpu.memory_space<vmem>>, vector<128x128xbf16>
    %dot_general3A_65 = arith.constant dense<0.000000e+00> : vector<2000x128xf32>
    %dot_general3A_66 = tpu.matmul %convert_element_type3A_61, %get3A_64, %dot_general3A_65 {dimension_numbers = #tpu.dot_dimension_numbers<[1], [0], [0], [1], [0, 0, 1, 1], [], []>, transpose_lhs_hint = false} : vector<2000x128xbf16>, vector<128x128xbf16>, vector<2000x128xf32> -> vector<2000x128xf32>
    %add3A_67 = arith.addf %dot_general3A_60, %dot_general3A_66 : vector<2000x128xf32>
    %get3A_68 = arith.constant 0 : index
    %get3A_69 = arith.constant 0 : index
    %get3A_70 = vector.load %arg11[%get3A_68, %get3A_69] : memref<1x128xf32, #tpu.memory_space<vmem>>, vector<1x128xf32>
    %get3A_71 = vector.shape_cast %get3A_70 : vector<1x128xf32> to vector<128xf32>
    %broadcast_in_dim3A_72 = vector.shape_cast %get3A_71 : vector<128xf32> to vector<1x128xf32>
    %add3A_73 = vector.broadcast %broadcast_in_dim3A_72 : vector<1x128xf32> to vector<2000x128xf32>
    %add3A_74 = arith.addf %add3A_67, %add3A_73 : vector<2000x128xf32>
    %convert_element_type3A_75 = arith.truncf %add3A_74 : vector<2000x128xf32> to vector<2000x128xbf16>
    %mul3A_76 = arith.constant -1.445310e+00 : bf16
    %mul3A_77 = vector.broadcast %mul3A_76 : bf16 to vector<2000x128xbf16>
    %mul3A_78 = arith.mulf %convert_element_type3A_75, %mul3A_77 : vector<2000x128xbf16>
    %exp23A_79 = math.exp2 %mul3A_78 : vector<2000x128xbf16>
    %add3A_80 = arith.constant 1.000000e+00 : bf16
    %add3A_81 = vector.broadcast %add3A_80 : bf16 to vector<2000x128xbf16>
    %add3A_82 = arith.addf %add3A_81, %exp23A_79 : vector<2000x128xbf16>
    %div3A_83 = arith.divf %convert_element_type3A_75, %add3A_82 : vector<2000x128xbf16>
    %get3A_84 = arith.constant 0 : index
    %get3A_85 = arith.constant 0 : index
    %get3A_86 = vector.load %arg10[%get3A_84, %get3A_85] : memref<128x128xbf16, #tpu.memory_space<vmem>>, vector<128x128xbf16>
    %dot_general3A_87 = arith.constant dense<0.000000e+00> : vector<2000x128xf32>
    %dot_general3A_88 = tpu.matmul %div3A_83, %get3A_86, %dot_general3A_87 {dimension_numbers = #tpu.dot_dimension_numbers<[1], [0], [0], [1], [0, 0, 1, 1], [], []>, transpose_lhs_hint = false} : vector<2000x128xbf16>, vector<128x128xbf16>, vector<2000x128xf32> -> vector<2000x128xf32>
    %get3A_89 = arith.constant 0 : index
    %get3A_90 = arith.constant 0 : index
    %get3A_91 = vector.load %arg12[%get3A_89, %get3A_90] : memref<1x128xf32, #tpu.memory_space<vmem>>, vector<1x128xf32>
    %get3A_92 = vector.shape_cast %get3A_91 : vector<1x128xf32> to vector<128xf32>
    %broadcast_in_dim3A_93 = vector.shape_cast %get3A_92 : vector<128xf32> to vector<1x128xf32>
    %add3A_94 = vector.broadcast %broadcast_in_dim3A_93 : vector<1x128xf32> to vector<2000x128xf32>
    %add3A_95 = arith.addf %dot_general3A_88, %add3A_94 : vector<2000x128xf32>
    %add3A_96 = arith.addf %slice3A, %add3A_95 : vector<2000x128xf32>
    %reduce_sum3A = arith.constant dense<0.000000e+00> : vector<2000xf32>
    %reduce_sum3A_97 = vector.multi_reduction <add>, %add3A_96, %reduce_sum3A [1] : vector<2000x128xf32> to vector<2000xf32>
    %broadcast_in_dim3A_98 = vector.shape_cast %reduce_sum3A_97 : vector<2000xf32> to vector<2000x1xf32>
    %div3A_99 = arith.constant 1.280000e+02 : f32
    %div3A_100 = vector.broadcast %div3A_99 : f32 to vector<2000x1xf32>
    %div3A_101 = arith.divf %broadcast_in_dim3A_98, %div3A_100 : vector<2000x1xf32>
    %sub3A = vector.broadcast %div3A_101 : vector<2000x1xf32> to vector<2000x128xf32>
    %sub3A_102 = arith.subf %add3A_96, %sub3A : vector<2000x128xf32>
    %integer_pow3A = arith.mulf %sub3A_102, %sub3A_102 : vector<2000x128xf32>
    %reduce_sum3A_103 = arith.constant dense<0.000000e+00> : vector<2000xf32>
    %reduce_sum3A_104 = vector.multi_reduction <add>, %integer_pow3A, %reduce_sum3A_103 [1] : vector<2000x128xf32> to vector<2000xf32>
    %broadcast_in_dim3A_105 = vector.shape_cast %reduce_sum3A_104 : vector<2000xf32> to vector<2000x1xf32>
    %div3A_106 = arith.constant 1.280000e+02 : f32
    %div3A_107 = vector.broadcast %div3A_106 : f32 to vector<2000x1xf32>
    %div3A_108 = arith.divf %broadcast_in_dim3A_105, %div3A_107 : vector<2000x1xf32>
    %sub3A_109 = vector.broadcast %div3A_101 : vector<2000x1xf32> to vector<2000x128xf32>
    %sub3A_110 = arith.subf %add3A_96, %sub3A_109 : vector<2000x128xf32>
    %add3A_111 = arith.constant 9.99999974E-6 : f32
    %add3A_112 = vector.broadcast %add3A_111 : f32 to vector<2000x1xf32>
    %add3A_113 = arith.addf %div3A_108, %add3A_112 : vector<2000x1xf32>
    %rsqrt3A = math.rsqrt %add3A_113 : vector<2000x1xf32>
    %mul3A_114 = vector.broadcast %rsqrt3A : vector<2000x1xf32> to vector<2000x128xf32>
    %mul3A_115 = arith.mulf %sub3A_110, %mul3A_114 : vector<2000x128xf32>
    %get3A_116 = arith.constant 0 : index
    %get3A_117 = arith.constant 0 : index
    %get3A_118 = vector.load %arg13[%get3A_116, %get3A_117] : memref<1x128xf32, #tpu.memory_space<vmem>>, vector<1x128xf32>
    %get3A_119 = vector.shape_cast %get3A_118 : vector<1x128xf32> to vector<128xf32>
    %broadcast_in_dim3A_120 = vector.shape_cast %get3A_119 : vector<128xf32> to vector<1x128xf32>
    %mul3A_121 = vector.broadcast %broadcast_in_dim3A_120 : vector<1x128xf32> to vector<2000x128xf32>
    %mul3A_122 = arith.mulf %mul3A_115, %mul3A_121 : vector<2000x128xf32>
    %get3A_123 = arith.constant 0 : index
    %get3A_124 = arith.constant 0 : index
    %get3A_125 = vector.load %arg14[%get3A_123, %get3A_124] : memref<1x128xf32, #tpu.memory_space<vmem>>, vector<1x128xf32>
    %get3A_126 = vector.shape_cast %get3A_125 : vector<1x128xf32> to vector<128xf32>
    %broadcast_in_dim3A_127 = vector.shape_cast %get3A_126 : vector<128xf32> to vector<1x128xf32>
    %add3A_128 = vector.broadcast %broadcast_in_dim3A_127 : vector<1x128xf32> to vector<2000x128xf32>
    %add3A_129 = arith.addf %mul3A_122, %add3A_128 : vector<2000x128xf32>
    %swap3A = arith.constant 0 : index
    %swap3A_130 = arith.constant 0 : index
    %swap3A_131 = arith.constant 0 : index
    %swap3A_132 = vector.load %arg15[%swap3A, %swap3A_130, %swap3A_131] : memref<1x2000x128xf32, #tpu.memory_space<vmem>>, vector<1x2000x128xf32>
    %swap3A_133 = vector.shape_cast %swap3A_132 : vector<1x2000x128xf32> to vector<2000x128xf32>
    %swap3A_134 = vector.shape_cast %add3A_129 : vector<2000x128xf32> to vector<1x2000x128xf32>
    tpu.vector_store %arg15[%swap3A, %swap3A_130, %swap3A_131], %swap3A_134 {strides = array<i32>} : memref<1x2000x128xf32, #tpu.memory_space<vmem>>, vector<1x2000x128xf32>,
    return
  }
  func.func @transform_0(%arg0: i32, %arg1: i32) -> (i32, i32, i32) {
    %c0_i32 = arith.constant 0 : i32
    %c0_i32_0 = arith.constant 0 : i32
    %c0_i32_1 = arith.constant 0 : i32
    return %arg0, %c0_i32, %c0_i32_0 : i32, i32, i32
  }
  func.func @transform_1(%arg0: i32, %arg1: i32) -> (i32, i32) {
    %c0_i32 = arith.constant 0 : i32
    %c0_i32_0 = arith.constant 0 : i32
    %c0_i32_1 = arith.constant 0 : i32
    return %c0_i32, %c0_i32_0 : i32, i32
  }
  func.func @transform_2(%arg0: i32, %arg1: i32) -> (i32, i32) {
    %c0_i32 = arith.constant 0 : i32
    %c0_i32_0 = arith.constant 0 : i32
    %c0_i32_1 = arith.constant 0 : i32
    return %c0_i32, %c0_i32_0 : i32, i32
  }
  func.func @transform_3(%arg0: i32, %arg1: i32) -> (i32, i32) {
    %c0_i32 = arith.constant 0 : i32
    %c0_i32_0 = arith.constant 0 : i32
    %c0_i32_1 = arith.constant 0 : i32
    return %c0_i32, %c0_i32_0 : i32, i32
  }
  func.func @transform_4(%arg0: i32, %arg1: i32) -> (i32, i32) {
    %c0_i32 = arith.constant 0 : i32
    %c0_i32_0 = arith.constant 0 : i32
    %c0_i32_1 = arith.constant 0 : i32
    return %c0_i32, %c0_i32_0 : i32, i32
  }
  func.func @transform_5(%arg0: i32, %arg1: i32) -> (i32, i32) {
    %c0_i32 = arith.constant 0 : i32
    %c0_i32_0 = arith.constant 0 : i32
    %c0_i32_1 = arith.constant 0 : i32
    return %c0_i32, %c0_i32_0 : i32, i32
  }
  func.func @transform_6(%arg0: i32, %arg1: i32) -> (i32, i32) {
    %c0_i32 = arith.constant 0 : i32
    %c0_i32_0 = arith.constant 0 : i32
    %c0_i32_1 = arith.constant 0 : i32
    return %c0_i32, %c0_i32_0 : i32, i32
  }
  func.func @transform_7(%arg0: i32, %arg1: i32) -> (i32, i32) {
    %c0_i32 = arith.constant 0 : i32
    %c0_i32_0 = arith.constant 0 : i32
    %c0_i32_1 = arith.constant 0 : i32
    return %c0_i32, %c0_i32_0 : i32, i32
  }
  func.func @transform_8(%arg0: i32, %arg1: i32) -> (i32, i32) {
    %c0_i32 = arith.constant 0 : i32
    %c0_i32_0 = arith.constant 0 : i32
    %c0_i32_1 = arith.constant 0 : i32
    return %c0_i32, %c0_i32_0 : i32, i32
  }
  func.func @transform_9(%arg0: i32, %arg1: i32) -> (i32, i32) {
    %c0_i32 = arith.constant 0 : i32
    %c0_i32_0 = arith.constant 0 : i32
    %c0_i32_1 = arith.constant 0 : i32
    return %c0_i32, %c0_i32_0 : i32, i32
  }
  func.func @transform_10(%arg0: i32, %arg1: i32) -> (i32, i32) {
    %c0_i32 = arith.constant 0 : i32
    %c0_i32_0 = arith.constant 0 : i32
    %c0_i32_1 = arith.constant 0 : i32
    return %c0_i32, %c0_i32_0 : i32, i32
  }
  func.func @transform_11(%arg0: i32, %arg1: i32) -> (i32, i32) {
    %c0_i32 = arith.constant 0 : i32
    %c0_i32_0 = arith.constant 0 : i32
    %c0_i32_1 = arith.constant 0 : i32
    return %c0_i32, %c0_i32_0 : i32, i32
  }
  func.func @transform_12(%arg0: i32, %arg1: i32) -> (i32, i32) {
    %c0_i32 = arith.constant 0 : i32
    %c0_i32_0 = arith.constant 0 : i32
    %c0_i32_1 = arith.constant 0 : i32
    return %c0_i32, %c0_i32_0 : i32, i32
  }
  func.func @transform_13(%arg0: i32, %arg1: i32) -> (i32, i32, i32) {
    %c0_i32 = arith.constant 0 : i32
    %c0_i32_0 = arith.constant 0 : i32
    return %arg0, %arg1, %c0_i32 : i32, i32, i32
  }
}

</mosaic_0001>

<sc_bundles>
// kernel: kernel.10.cloned.1.call-start
scs
__scs_entry_jumppad:
0x0: {  	(pc) =	sbr.rel $0x88, $3  }
0x1: {  	(tag) =	ssettag $0x0;
	lr =	simm.s32 $0x1  }
0x2: {  	[smem:$0x3F95] =	sst lr;
	_ =	strace $0xD0000000  }
0x3: {  	_ = 	snop  }
0x4: {  	_ = 	snop  }
0x5: {  	_ = 	snop  }
0x6: {  	_ = 	snop  }
0x7: {  	_ = 	snop  }
__scs_overlays_trampoline_lowered:
0x8: {  	[smem:$0x3FA4] =	sst s0  }
0x9: {  	[smem:$0x3FA5] =	sst s1  }
0xa: {  	[smem:$0x3FA6] =	sst s2  }
0xb: {  	[smem:$0x3FA7] =	sst s3  }
0xc: {  	[smem:$0x3FA8] =	sst s4  }
0xd: {  	[smem:$0x3FA9] =	sst s5  }
0xe: {  	[smem:$0x3FAA] =	sst s6  }
0xf: {  	[smem:$0x3FAB] =	sst s7  }
0x10: {  	[smem:$0x3FAC] =	sst s8  }
0x11: {  	[smem:$0x3FAD] =	sst s9;
	s0 =	simm.s32 @!p0 $0x0  }
0x12: {  	s1 =	sld [smem:$0x3F93];
	s0 =	simm.s32 @p0 $0x1  }
0x13: {  	[smem:$0x3FAE] =	sst s0;
	s0 =	simm.s32 @!p1 $0x0  }
0x14: {  	s2 =	sld [smem:$0x3F92];
	s0 =	simm.s32 @p1 $0x1  }
0x15: {  	[smem:$0x3FAF] =	sst s0;
	s0 =	simm.s32 @!p2 $0x0  }
0x16: {  	s3 =	sld [smem:$0x3FDB];
	s0 =	simm.s32 @p2 $0x1  }
0x17: {  	s4 =	simm.s32 $0x1BF5;
	[smem:$0x3FB1] =	sst s0  }
0x18: {  	s0 =	sld [smem:$0x3F94];
	_ =	swait.ge [sflag:s4], $0x0  }
0x19: {  	s7 =	sld [smem:$0x3F95]  }
0x1a: {  	s8 =	sadd.s32 $0xFFFFE003, lr  }
0x1b: {  	s9 =	sadd.s32 $0xFFFFFEF7, lr;
	s5 =	simm.s32 $0xFFFFFFFF;
	p2 =	slt.u32 s8, $0xFFFFF086  }
0x1c: {  	p1 =	slt.u32 s9, $0xF7A;
	s5 =	simm.s32 @!p2 $0x0  }
0x1d: {  	s5 =	simm.s32 @p1 $0x1;
	p0 =	seq.s32 s7, s2  }
0x1e: {  	s7 =	smul.u32 @!p0 $0xF7A, s2;
	p2 =	seq.s32 @!p0 s5, $0x0  }
0x1f: {  	s9 =	smul.u32 $0xF7A, s1;
	s8 =	simm.s32 @!p0 $0x1BF5;
	p2 =	por !p2, p0  }
0x20: {  	[sflag:s8] =	ssyncset.s32 @!p0 $0xFFFFF086;
	s6 =	sadd.s32 @!p0 s3, s7;
	s7 =	simm.s32 @!p0 $0x108  }
0x21: {  	s3 =	sadd.s32 s3, s9;
	s6 =	sadd.s32 @!p0 $0x88, s6;
	s7 =	simm.s32 @p2 $0x1082  }
0x22: {  	[simem:s7], [sflag:s8] =	dma.local @!p0 [hbm:s6], $0xF7A  }
0x23: {  	s9 =	sor.u32 $0xD0000000, s2;
	s6 =	simm.s32 $0x108;
	_ =	swait.ge @!p0 [sflag:s8], $0x0  }
0x24: {  	s3 =	sadd.s32 $0x88, s3;
	s6 =	simm.s32 @!p1 $0x1082;
	[sflag:s4] =	ssyncset.s32 $0xFFFFF086  }
0x25: {  	[simem:s6], [sflag:s4] =	dma.local [hbm:s3], $0xF7A  }
0x26: {  	[smem:$0x3F95] =	sst s1;
	(tag) =	ssettag s2;
	_ =	strace s9  }
0x27: {  	s1 =	sld [smem:$0x3FA5]  }
0x28: {  	s2 =	sld [smem:$0x3FA6]  }
0x29: {  	s4 =	sld [smem:$0x3FA8]  }
0x2a: {  	p0 =	seq.s32 s5, $0x0;
	s5 =	sld [smem:$0x3FA9]  }
0x2b: {  	s6 =	sld [smem:$0x3FAA]  }
0x2c: {  	s7 =	sld [smem:$0x3FAB]  }
0x2d: {  	s3 =	simm.s32 $0x108;
	s8 =	sld [smem:$0x3FAC]  }
0x2e: {  	s3 =	simm.s32 @!p0 $0x1082;
	s9 =	sld [smem:$0x3FAD]  }
0x2f: {  	lr =	sadd.s32 s0, s3;
	s0 =	sld [smem:$0x3FA4]  }
0x30: {  	s3 =	sld [smem:$0x3FA7]  }
0x31: {  	[smem:$0x3FB0] =	sst s10  }
0x32: {  	s10 =	sld [smem:$0x3FAE];
	_ =	sdelay $0x3  }
0x33: {  	p0 =	seq.s32 s10, $0x1;
	s10 =	sld [smem:$0x3FB0];
	_ =	sdelay $0x3  }
0x34: {  	[smem:$0x3FB0] =	sst s10  }
0x35: {  	s10 =	sld [smem:$0x3FAF];
	_ =	sdelay $0x3  }
0x36: {  	p1 =	seq.s32 s10, $0x1;
	s10 =	sld [smem:$0x3FB0];
	_ =	sdelay $0x3  }
0x37: {  	[smem:$0x3FB0] =	sst s10  }
0x38: {  	s10 =	sld [smem:$0x3FB1]  }
0x39: {  	_ = 	snop;
	(pc) =	sbr.ind lr, $3  }
0x3a: {  	_ = 	snop  }
0x3b: {  	_ = 	snop  }
0x3c: {  	p2 =	seq.s32 s10, $0x1;
	s10 =	sld [smem:$0x3FB0]  }
0x3d: {  	_ =	shalt  }
0x3e: {  	_ =	shalt  }
0x3f: {  	_ =	shalt  }
0x40: {  	_ =	shalt  }
0x41: {  	_ =	shalt  }
0x42: {  	_ =	shalt  }
0x43: {  	_ =	shalt  }
0x44: {  	_ =	shalt  }
0x45: {  	_ =	shalt  }
0x46: {  	_ =	shalt  }
0x47: {  	_ =	shalt  }
0x48: {  	_ =	shalt  }
0x49: {  	_ =	shalt  }
0x4a: {  	_ =	shalt  }
0x4b: {  	_ =	shalt  }
0x4c: {  	_ =	shalt  }
0x4d: {  	_ =	shalt  }
0x4e: {  	_ =	shalt  }
0x4f: {  	_ =	shalt  }
0x50: {  	_ =	shalt  }
0x51: {  	_ =	shalt  }
0x52: {  	_ =	shalt  }
0x53: {  	_ =	shalt  }
0x54: {  	_ =	shalt  }
0x55: {  	_ =	shalt  }
0x56: {  	_ =	shalt  }
0x57: {  	_ =	shalt  }
0x58: {  	_ =	shalt  }
0x59: {  	_ =	shalt  }
0x5a: {  	_ =	shalt  }
0x5b: {  	_ =	shalt  }
0x5c: {  	_ =	shalt  }
0x5d: {  	_ =	shalt  }
0x5e: {  	_ =	shalt  }
0x5f: {  	_ =	shalt  }
0x60: {  	_ =	shalt  }
0x61: {  	_ =	shalt  }
0x62: {  	_ =	shalt  }
0x63: {  	_ =	shalt  }
0x64: {  	_ =	shalt  }
0x65: {  	_ =	shalt  }
0x66: {  	_ =	shalt  }
0x67: {  	_ =	shalt  }
0x68: {  	_ =	shalt  }
0x69: {  	_ =	shalt  }
0x6a: {  	_ =	shalt  }
0x6b: {  	_ =	shalt  }
0x6c: {  	_ =	shalt  }
0x6d: {  	_ =	shalt  }
0x6e: {  	_ =	shalt  }
0x6f: {  	_ =	shalt  }
0x70: {  	_ =	shalt  }
0x71: {  	_ =	shalt  }
0x72: {  	_ =	shalt  }
0x73: {  	_ =	shalt  }
0x74: {  	_ =	shalt  }
0x75: {  	_ =	shalt  }
0x76: {  	_ =	shalt  }
0x77: {  	_ =	shalt  }
0x78: {  	_ =	shalt  }
0x79: {  	_ =	shalt  }
0x7a: {  	_ =	shalt  }
0x7b: {  	_ =	shalt  }
0x7c: {  	_ =	shalt  }
0x7d: {  	_ =	shalt  }
0x7e: {  	_ =	shalt  }
0x7f: {  	_ =	shalt  }
0x80: {  	_ =	shalt  }
0x81: {  	_ =	shalt  }
0x82: {  	_ =	shalt  }
0x83: {  	_ =	shalt  }
0x84: {  	_ =	shalt  }
0x85: {  	_ =	shalt  }
0x86: {  	_ =	shalt  }
0x87: {  	_ =	shalt  }
.Lfunc_end0:
.L_simem_size_0:
called_computation.1_lowered:
.L_overlay_start_0:
0x88: {  	s2 =	sld [smem:$0x3FD9]  }
0x89: {  	s3 =	sld [smem:$0x3FFE];
	_ =	sdelay $0x1  }
0x8a: {  	s1 =	srdreg.scid  }
0x8b: {  	s0 =	sand.u32 $0x1, s1  }
0x8c: {  	s17 =	sshll.u32 s0, $0xA;
	s2 =	sadd.s32 s3, s2  }
0x8d: {  	s2 =	sadd.s32 s2, s17  }
0x8e: {  	[smem:$0x3FBC] =	sst s2  }
0x8f: {  	_ = 	snop  }
0x90: {  	s4 =	sld [smem:$0x3FC9]  }
0x91: {  	s18 =	sld [smem:$0x3FD0];
	(tm) =	ssettm $0x1  }
0x92: {  	s19 =	sld [smem:$0x3FFB];
	_ =	sdelay $0x3  }
0x93: {  	_ =	strace s19  }
0x94: {  	s2 =	sld [smem:$0x3FFC];
	_ =	sdelay $0x3  }
0x95: {  	_ =	strace s2  }
0x96: {  	s2 =	sld [smem:$0x3FFD];
	_ =	sdelay $0x3  }
0x97: {  	_ =	strace s2  }
0x98: {  	_ =	strace $0x8FFFFFFF  }
0x99: {  	s20 =	sld [smem:$0x3FDB];
	_ =	sdelay $0x1  }
0x9a: {  	s5 =	simm.s32 $_scs_section_size  }
0x9b: {  	s6 =	simm.s32 $_size__tile_overlayer_lowered;
	s7 =	simm.s32 $_tile_overlayer_lowered  }
0x9c: {  	s8 =	simm.s32 $0x1BFF;
	s21 =	sshll.u32 s7, $0x1;
	s5 =	sadd.s32 s5, s20  }
0x9d: {  	s22 =	simm.s32 $0x0;
	s6 =	sshll.u32 s6, $0x1;
	s7 =	sadd.s32 s21, s5  }
0x9e: {  	[timem:s22], [sflag:s8] =	dma.local [hbm:s7], s6  }
0x9f: {  	_ =	swait.ge [sflag:s8], s6  }
0xa0: {  	s6 =	ssub.s32 $0x0, s6;
	[sflag:s8] =	ssyncset.done $0x0  }
0xa1: {  	[sflag:s8] =	ssyncadd.s32 s6;
	_ =	sdelay $0x1  }
0xa2: {  	s23 =	simm.s32 $0x1B8B  }
0xa3: {  	_ =	swait.ge [sflag:s23], $0x1  }
0xa4: {  	[sflag:s23] =	ssyncset.done $0x0  }
0xa5: {  	[sflag:s23] =	ssyncadd.s32 $0xFFFFFFFF  }
0xa6: {  	s6 =	sld [smem:$0x0]  }
0xa7: {  	s7 =	sand.u32 $0xFFFFFFFE, s1  }
0xa8: {  	p0 =	sne.s32 s1, s7  }
0xa9: {  	s7 =	sshll.u32 @p0 s7, $0xE  }
0xaa: {  	s7 =	sadd.s32 @p0 $0x11B8D, s7;
	s8 =	sshll.u32 @p0 s6, $0x11  }
0xab: {  	s7 =	sor.u32 @p0 s8, s7  }
0xac: {  	[sflag:s7] =	ssyncadd.remote.s32 @p0 $0x1;
	_ =	sdelay $0x1  }
0xad: {  	s7 =	simm.s32 @p0 $0x1B8D  }
0xae: {  	_ =	swait.eq @p0 [sflag:s7], $0x1  }
0xaf: {  	[sflag:s7] =	ssyncadd.s32 @p0 $0xFFFFFFFF  }
0xb0: {  	s8 =	sshll.u32 @!p0 s1, $0xE  }
0xb1: {  	s8 =	sor.u32 @!p0 $0x4000, s8;
	s7 =	simm.s32 @!p0 $0x1B8D  }
0xb2: {  	s6 =	sshll.u32 @!p0 s6, $0x11;
	s8 =	sadd.s32 @!p0 $0x11B8D, s8;
	_ =	swait.eq @!p0 [sflag:s7], $0x1  }
0xb3: {  	s6 =	sor.u32 @!p0 s6, s8;
	[sflag:s7] =	ssyncadd.s32 @!p0 $0xFFFFFFFF  }
0xb4: {  	s25 =	simm.s32 $0x1B8E;
	s24 =	sld [smem:$0x3FFE];
	[sflag:s6] =	ssyncadd.remote.s32 @!p0 $0x1  }
0xb5: {  	s26 =	simm.s32 $execute0_lowered;
	[smem:$0x3FD2] =	sst s25  }
0xb6: {  	s7 =	sshll.u32 s26, $0x1;
	_ =	strace $0x80000049;
	[dreg:$0x1] =	wrdreg $0xFFFFFFFF  }
0xb7: {  	s28 =	simm.s32 $_size_execute0_lowered;
	s5 =	sadd.s32 s5, s7;
	[dreg:$0x0] =	wrdreg $0x0  }
0xb8: {  	s7 =	sshll.u32 s28, $0x1;
	[dreg:$0x2] =	wrdreg s5  }
0xb9: {  	[dreg:$0x3] =	wrdreg s7  }
0xba: {  	[dreg:$0x4] =	wrdreg $0xC0  }
0xbb: {  	_ =	task [dreg:s22], $0x5FFFF  }
0xbc: {  	[dreg:$0x1] =	wrdreg $0xFFFFFFFF  }
0xbd: {  	[dreg:$0x0] =	wrdreg $0x60  }
0xbe: {  	[dreg:$0x2] =	wrdreg s4  }
0xbf: {  	[dreg:$0x3] =	wrdreg s24  }
0xc0: {  	[dreg:$0x4] =	wrdreg s18  }
0xc1: {  	[dreg:$0x5] =	wrdreg $0xA  }
0xc2: {  	_ =	task.clear_ibuf [dreg:s22], $0x6FFFF;
	_ =	strace $0x90000049  }
0xc3: {  	s29 =	simm.s32 $0xA;
	_ =	strace $0x8000004B  }
0xc4: {  	_ =	swait.ge [sflag:s29], $0x1  }
0xc5: {  	[sflag:s29] =	ssyncadd.s32 $0xFFFFFFFF  }
0xc6: {  	_ =	strace $0x9000004B  }
0xc7: {  	_ =	sfence  }
0xc8: {  	s30 =	sld [smem:$0x0];
	_ =	sdelay $0x2  }
0xc9: {  	s31 =	sshll.u32 s1, $0xD;
	s1 =	sshrl.u32 s1, $0x2  }
0xca: {  	s4 =	sand.u32 $0x4000, s31;
	s1 =	sadd.s32 s1, s30  }
0xcb: {  	s0 =	sor.u32 s4, s0;
	s1 =	sshll.u32 s1, $0x11  }
0xcc: {  	s0 =	sor.u32 s1, s0  }
0xcd: {  	s0 =	sadd.s32 $0x8F2B, s0  }
0xce: {  	[sflag:s0] =	ssyncadd.remote.s32 $0x1  }
0xcf: {  	_ =	sfence.sel $0xFFFF  }
0xd0: {  	[dreg:$0x0] =	wrdreg $0xFFFFFFFF;
	(pc) =	sbr.abs _section_cstart, $3  }
0xd1: {  	[dreg:$0x1] =	wrdreg $0xFFFFFFFF  }
0xd2: {  	_ =	task.clear_ibuf [dreg:s22], $0x2FFFF;
	_ =	strace $0x9FFFFFFF  }
0xd3: {  	(tm) =	ssettm $0x7FFFFFFF  }
tec
execute0_lowered:
.L_overlay_start_1:
0x0: {  	(tag) =	ssettag $0x1  }
0x1: {  	s1 =	srdreg.scid;
	s0 =	stileid.u32  }
0x2: {  	s1 =	sand.u32 $0x1, s1;
	s3 =	sshll.u32 s0, $0x1  }
0x3: {  	s15 =	sor.u32 s1, s3  }
0x4: {  	s5 =	smul.u32 $0xA0, s15  }
0x5: {  	s2 =	rddreg [dreg:$0x0]  }
0x6: {  	s4 =	rddreg [dreg:$0x1];
	s5 =	sand.u32 $0x1F80, s5  }
0x7: {  	s16 =	rddreg [dreg:$0x2];
	s3 =	simm.s32 $0x0;
	s4 =	sadd.s32 s5, s4  }
0x8: {  	[smem:$0x7FF] =	sst s3;
	s4 =	sadd.s32 $0xA3E00, s4  }
0x9: {  	_ =	strace $0x8000004A;
	[dreg:$0x4] =	wrdreg s4  }
0xa: {  	s4 =	simm.s32 $0x2;
	s25 =	rddreg [dreg:$0x4]  }
0xb: {  	[tilespmem:s3], [sflag:$0x2] =	stream.linear.gather [hbm4b:s25+s3], $0xC00, $0x38;
	[tilespmem:$0x10C00] =	vst v63  }
0xc: {  	_ =	swait.ge [sflag:s4], $0xC00  }
0xd: {  	s6 =	simm.s32 $0x80;
	s26 =	sshll.u32 s15, $0x8;
	[sflag:s4] =	ssyncset.done $0x0  }
0xe: {  	s7 =	simm.s32 $0xC00;
	s5 =	sand.u32 $0x300, s26;
	[sflag:s4] =	ssyncadd.s32 $0xFFFFF400  }
0xf: {  	[tilespmem:s7], [sflag:$0x1] =	stream.indirect.gather [hbm4b:s2+s6], $0x80, s5, s6, $0xb8;
	[tilespmem:$0x10C00] =	vst v63  }
0x10: {  	s9 =	simm.s32 $0x4C00;
	s8 =	sor.u32 $0x80, s5  }
0x11: {  	[tilespmem:s9], [sflag:$0x1] =	stream.indirect.gather [hbm4b:s2+s6], $0x80, s8, s6, $0xb8;
	[tilespmem:$0x10C00] =	vst v63  }
0x12: {  	s11 =	simm.s32 $0x8C00;
	s10 =	sadd.s32 $0x100, s5  }
0x13: {  	[tilespmem:s11], [sflag:$0x1] =	stream.indirect.gather [hbm4b:s2+s6], $0x80, s10, s6, $0xb8;
	[tilespmem:$0x10C00] =	vst v63  }
0x14: {  	s13 =	simm.s32 $0xCC00;
	s14 =	simm.s32 $0x1;
	s12 =	sadd.s32 $0x180, s5  }
0x15: {  	[tilespmem:s13], [sflag:$0x1] =	stream.indirect.gather [hbm4b:s2+s6], $0x80, s12, s6, $0xb8;
	[tilespmem:$0x10C00] =	vst v63  }
0x16: {  	s15 =	smul.u32 $0x5000, s15;
	_ =	swait.ge [sflag:s14], $0x4000  }
0x17: {  	[sflag:s14] =	ssyncset.done $0x0  }
0x18: {  	s15 =	sadd.s32 s16, s15;
	[sflag:s14] =	ssyncadd.s32 $0xFFFFC000  }
0x19: {  	[hbm4b:s15+s3] =	stream.linear.scatter [tilespmem:s7], [sflag:$0x2], $0x4000, $0x38;
	[tilespmem:$0x10C00] =	vst v63  }
0x1a: {  	_ =	swait.ge [sflag:s4], $0x4000  }
0x1b: {  	[sflag:s4] =	ssyncset.done $0x0  }
0x1c: {  	s16 =	sadd.s32 $0x200, s5;
	[sflag:s4] =	ssyncadd.s32 $0xFFFFC000  }
0x1d: {  	[tilespmem:s7], [sflag:$0x1] =	stream.indirect.gather [hbm4b:s2+s6], $0x80, s16, s6, $0xb8;
	[tilespmem:$0x10C00] =	vst v63  }
0x1e: {  	_ =	swait.ge [sflag:s14], $0x4000  }
0x1f: {  	[sflag:s14] =	ssyncset.done $0x0  }
0x20: {  	s17 =	sadd.s32 $0x800, s15;
	[sflag:s14] =	ssyncadd.s32 $0xFFFFC000  }
0x21: {  	[hbm4b:s17+s3] =	stream.linear.scatter [tilespmem:s9], [sflag:$0x2], $0x4000, $0x38;
	[tilespmem:$0x10C00] =	vst v63  }
0x22: {  	_ =	swait.ge [sflag:s4], $0x4000  }
0x23: {  	[sflag:s4] =	ssyncset.done $0x0  }
0x24: {  	s18 =	sadd.s32 $0x280, s5;
	[sflag:s4] =	ssyncadd.s32 $0xFFFFC000  }
0x25: {  	[tilespmem:s9], [sflag:$0x1] =	stream.indirect.gather [hbm4b:s2+s6], $0x80, s18, s6, $0xb8;
	[tilespmem:$0x10C00] =	vst v63  }
0x26: {  	_ =	swait.ge [sflag:s14], $0x4000  }
0x27: {  	[sflag:s14] =	ssyncset.done $0x0  }
0x28: {  	s19 =	sadd.s32 $0x1000, s15;
	[sflag:s14] =	ssyncadd.s32 $0xFFFFC000  }
0x29: {  	[hbm4b:s19+s3] =	stream.linear.scatter [tilespmem:s11], [sflag:$0x2], $0x4000, $0x38;
	[tilespmem:$0x10C00] =	vst v63  }
0x2a: {  	_ =	swait.ge [sflag:s4], $0x4000  }
0x2b: {  	[sflag:s4] =	ssyncset.done $0x0  }
0x2c: {  	s20 =	sadd.s32 $0x300, s5;
	[sflag:s4] =	ssyncadd.s32 $0xFFFFC000  }
0x2d: {  	[tilespmem:s11], [sflag:$0x1] =	stream.indirect.gather [hbm4b:s2+s6], $0x80, s20, s6, $0xb8;
	[tilespmem:$0x10C00] =	vst v63  }
0x2e: {  	_ =	swait.ge [sflag:s14], $0x4000  }
0x2f: {  	[sflag:s14] =	ssyncset.done $0x0  }
0x30: {  	s21 =	sadd.s32 $0x1800, s15;
	[sflag:s14] =	ssyncadd.s32 $0xFFFFC000  }
0x31: {  	[hbm4b:s21+s3] =	stream.linear.scatter [tilespmem:s13], [sflag:$0x2], $0x4000, $0x38;
	[tilespmem:$0x10C00] =	vst v63  }
0x32: {  	_ =	swait.ge [sflag:s4], $0x4000  }
0x33: {  	[sflag:s4] =	ssyncset.done $0x0  }
0x34: {  	s22 =	sadd.s32 $0x380, s5;
	[sflag:s4] =	ssyncadd.s32 $0xFFFFC000  }
0x35: {  	[tilespmem:s13], [sflag:$0x1] =	stream.indirect.gather [hbm4b:s2+s6], $0x80, s22, s6, $0xb8;
	[tilespmem:$0x10C00] =	vst v63  }
0x36: {  	_ =	swait.ge [sflag:s14], $0x4000  }
0x37: {  	[sflag:s14] =	ssyncset.done $0x0  }
0x38: {  	s23 =	sadd.s32 $0x2000, s15;
	[sflag:s14] =	ssyncadd.s32 $0xFFFFC000  }
0x39: {  	[hbm4b:s23+s3] =	stream.linear.scatter [tilespmem:s7], [sflag:$0x2], $0x4000, $0x38;
	[tilespmem:$0x10C00] =	vst v63  }
0x3a: {  	_ =	swait.ge [sflag:s4], $0x4000  }
0x3b: {  	[sflag:s4] =	ssyncset.done $0x0  }
0x3c: {  	s24 =	sor.u32 $0x400, s5;
	[sflag:s4] =	ssyncadd.s32 $0xFFFFC000  }
0x3d: {  	[tilespmem:s7], [sflag:$0x1] =	stream.indirect.gather [hbm4b:s2+s6], $0x80, s24, s6, $0xb8;
	[tilespmem:$0x10C00] =	vst v63  }
0x3e: {  	_ =	swait.ge [sflag:s14], $0x4000  }
0x3f: {  	[sflag:s14] =	ssyncset.done $0x0  }
0x40: {  	s25 =	sadd.s32 $0x2800, s15;
	[sflag:s14] =	ssyncadd.s32 $0xFFFFC000  }
0x41: {  	[hbm4b:s25+s3] =	stream.linear.scatter [tilespmem:s9], [sflag:$0x2], $0x4000, $0x38;
	[tilespmem:$0x10C00] =	vst v63  }
0x42: {  	_ =	swait.ge [sflag:s4], $0x4000  }
0x43: {  	[sflag:s4] =	ssyncset.done $0x0  }
0x44: {  	s26 =	sor.u32 $0x480, s5;
	[sflag:s4] =	ssyncadd.s32 $0xFFFFC000  }
0x45: {  	[tilespmem:s9], [sflag:$0x1] =	stream.indirect.gather [hbm4b:s2+s6], $0x80, s26, s6, $0xb8;
	[tilespmem:$0x10C00] =	vst v63  }
0x46: {  	_ =	swait.ge [sflag:s14], $0x4000  }
0x47: {  	[sflag:s14] =	ssyncset.done $0x0  }
0x48: {  	s28 =	sadd.s32 $0x3000, s15;
	[sflag:s14] =	ssyncadd.s32 $0xFFFFC000  }
0x49: {  	[hbm4b:s28+s3] =	stream.linear.scatter [tilespmem:s11], [sflag:$0x2], $0x4000, $0x38;
	[tilespmem:$0x10C00] =	vst v63  }
0x4a: {  	_ =	swait.ge [sflag:s4], $0x4000  }
0x4b: {  	[sflag:s4] =	ssyncset.done $0x0  }
0x4c: {  	[sflag:s4] =	ssyncadd.s32 $0xFFFFC000  }
0x4d: {  	_ =	swait.ge [sflag:s14], $0x4000  }
0x4e: {  	[sflag:s14] =	ssyncset.done $0x0  }
0x4f: {  	s29 =	sadd.s32 $0x3800, s15;
	[sflag:s14] =	ssyncadd.s32 $0xFFFFC000  }
0x50: {  	[hbm4b:s29+s3] =	stream.linear.scatter [tilespmem:s13], [sflag:$0x2], $0x4000, $0x38;
	[tilespmem:$0x10C00] =	vst v63  }
0x51: {  	_ =	swait.ge [sflag:s4], $0x4000  }
0x52: {  	[sflag:s4] =	ssyncset.done $0x0  }
0x53: {  	[sflag:s4] =	ssyncadd.s32 $0xFFFFC000  }
0x54: {  	_ =	swait.ge [sflag:s14], $0x4000  }
0x55: {  	s1 =	ssub.s32 $0x2, s1;
	[sflag:s14] =	ssyncset.done $0x0  }
0x56: {  	s31 =	sshrl.u32 s1, $0x1;
	s30 =	sadd.s32 $0x4000, s15;
	[sflag:s14] =	ssyncadd.s32 $0xFFFFC000  }
0x57: {  	[hbm4b:s30+s3] =	stream.linear.scatter [tilespmem:s7], [sflag:$0x2], $0x4000, $0x38;
	[tilespmem:$0x10C00] =	vst v63  }
0x58: {  	s1 =	ssub.s32 s1, s31;
	_ =	swait.ge [sflag:s4], $0x4000  }
0x59: {  	s1 =	smax.u32 s1, $0x1;
	[sflag:s4] =	ssyncset.done $0x0  }
0x5a: {  	p0 =	sne.s32 s1, $0x1;
	[sflag:s4] =	ssyncadd.s32 $0xFFFFC000  }
.Ltmp0:
0x5b: {  	_ =	swait.ge [sflag:s14], $0x4000;
	(pc) =	sbr.rel @!p0 .LBB2_2-.Ltmp0, $4  }
0x5c: {  	[sflag:s14] =	ssyncset.done $0x0  }
0x5d: {  	s31 =	sadd.s32 $0x4800, s15;
	[sflag:s14] =	ssyncadd.s32 $0xFFFFC000  }
0x5e: {  	[hbm4b:s31+s3] =	stream.linear.scatter [tilespmem:s9], [sflag:$0x2], $0x4000, $0x38;
	[tilespmem:$0x10C00] =	vst v63  }
0x5f: {  	s1 =	sadd.s32 $0xFFFFFFFF, s1;
	_ =	swait.ge [sflag:s4], $0x4000  }
.LBB2_1:
0x60: {  	[sflag:s4] =	ssyncset.done $0x0  }
0x61: {  	s0 =	rddreg [dreg:$0x4];
	[sflag:s4] =	ssyncadd.s32 $0xFFFFC000  }
0x62: {  	[tilespmem:s3], [sflag:$0x2] =	stream.linear.gather [hbm4b:s0+s3], $0xC00, $0x38;
	[tilespmem:$0x10C00] =	vst v63  }
0x63: {  	_ =	swait.ge [sflag:s4], $0xC00  }
0x64: {  	[sflag:s4] =	ssyncset.done $0x0  }
0x65: {  	[sflag:s4] =	ssyncadd.s32 $0xFFFFF400  }
0x66: {  	[tilespmem:s7], [sflag:$0x1] =	stream.indirect.gather [hbm4b:s2+s6], $0x80, s5, s6, $0xb8;
	[tilespmem:$0x10C00] =	vst v63  }
0x67: {  	_ = 	snop  }
0x68: {  	[tilespmem:s9], [sflag:$0x1] =	stream.indirect.gather [hbm4b:s2+s6], $0x80, s8, s6, $0xb8;
	[tilespmem:$0x10C00] =	vst v63  }
0x69: {  	_ = 	snop  }
0x6a: {  	[tilespmem:s11], [sflag:$0x1] =	stream.indirect.gather [hbm4b:s2+s6], $0x80, s10, s6, $0xb8;
	[tilespmem:$0x10C00] =	vst v63  }
0x6b: {  	_ = 	snop  }
0x6c: {  	[tilespmem:s13], [sflag:$0x1] =	stream.indirect.gather [hbm4b:s2+s6], $0x80, s12, s6, $0xb8;
	[tilespmem:$0x10C00] =	vst v63  }
0x6d: {  	_ =	swait.ge [sflag:s14], $0x4000  }
0x6e: {  	[sflag:s14] =	ssyncset.done $0x0  }
0x6f: {  	[sflag:s14] =	ssyncadd.s32 $0xFFFFC000  }
0x70: {  	[hbm4b:s15+s3] =	stream.linear.scatter [tilespmem:s7], [sflag:$0x2], $0x4000, $0x38;
	[tilespmem:$0x10C00] =	vst v63  }
0x71: {  	_ =	swait.ge [sflag:s4], $0x4000  }
0x72: {  	[sflag:s4] =	ssyncset.done $0x0  }
0x73: {  	[sflag:s4] =	ssyncadd.s32 $0xFFFFC000  }
0x74: {  	[tilespmem:s7], [sflag:$0x1] =	stream.indirect.gather [hbm4b:s2+s6], $0x80, s16, s6, $0xb8;
	[tilespmem:$0x10C00] =	vst v63  }
0x75: {  	_ =	swait.ge [sflag:s14], $0x4000  }
0x76: {  	[sflag:s14] =	ssyncset.done $0x0  }
0x77: {  	[sflag:s14] =	ssyncadd.s32 $0xFFFFC000  }
0x78: {  	[hbm4b:s17+s3] =	stream.linear.scatter [tilespmem:s9], [sflag:$0x2], $0x4000, $0x38;
	[tilespmem:$0x10C00] =	vst v63  }
0x79: {  	_ =	swait.ge [sflag:s4], $0x4000  }
0x7a: {  	[sflag:s4] =	ssyncset.done $0x0  }
0x7b: {  	[sflag:s4] =	ssyncadd.s32 $0xFFFFC000  }
0x7c: {  	[tilespmem:s9], [sflag:$0x1] =	stream.indirect.gather [hbm4b:s2+s6], $0x80, s18, s6, $0xb8;
	[tilespmem:$0x10C00] =	vst v63  }
0x7d: {  	_ =	swait.ge [sflag:s14], $0x4000  }
0x7e: {  	[sflag:s14] =	ssyncset.done $0x0  }
0x7f: {  	[sflag:s14] =	ssyncadd.s32 $0xFFFFC000  }
0x80: {  	[hbm4b:s19+s3] =	stream.linear.scatter [tilespmem:s11], [sflag:$0x2], $0x4000, $0x38;
	[tilespmem:$0x10C00] =	vst v63  }
0x81: {  	_ =	swait.ge [sflag:s4], $0x4000  }
0x82: {  	[sflag:s4] =	ssyncset.done $0x0  }
0x83: {  	[sflag:s4] =	ssyncadd.s32 $0xFFFFC000  }
0x84: {  	[tilespmem:s11], [sflag:$0x1] =	stream.indirect.gather [hbm4b:s2+s6], $0x80, s20, s6, $0xb8;
	[tilespmem:$0x10C00] =	vst v63  }
0x85: {  	_ =	swait.ge [sflag:s14], $0x4000  }
0x86: {  	[sflag:s14] =	ssyncset.done $0x0  }
0x87: {  	[sflag:s14] =	ssyncadd.s32 $0xFFFFC000  }
0x88: {  	[hbm4b:s21+s3] =	stream.linear.scatter [tilespmem:s13], [sflag:$0x2], $0x4000, $0x38;
	[tilespmem:$0x10C00] =	vst v63  }
0x89: {  	_ =	swait.ge [sflag:s4], $0x4000  }
0x8a: {  	[sflag:s4] =	ssyncset.done $0x0  }
0x8b: {  	[sflag:s4] =	ssyncadd.s32 $0xFFFFC000  }
0x8c: {  	[tilespmem:s13], [sflag:$0x1] =	stream.indirect.gather [hbm4b:s2+s6], $0x80, s22, s6, $0xb8;
	[tilespmem:$0x10C00] =	vst v63  }
0x8d: {  	_ =	swait.ge [sflag:s14], $0x4000  }
0x8e: {  	[sflag:s14] =	ssyncset.done $0x0  }
0x8f: {  	[sflag:s14] =	ssyncadd.s32 $0xFFFFC000  }
0x90: {  	[hbm4b:s23+s3] =	stream.linear.scatter [tilespmem:s7], [sflag:$0x2], $0x4000, $0x38;
	[tilespmem:$0x10C00] =	vst v63  }
0x91: {  	_ =	swait.ge [sflag:s4], $0x4000  }
0x92: {  	[sflag:s4] =	ssyncset.done $0x0  }
0x93: {  	[sflag:s4] =	ssyncadd.s32 $0xFFFFC000  }
0x94: {  	[tilespmem:s7], [sflag:$0x1] =	stream.indirect.gather [hbm4b:s2+s6], $0x80, s24, s6, $0xb8;
	[tilespmem:$0x10C00] =	vst v63  }
0x95: {  	_ =	swait.ge [sflag:s14], $0x4000  }
0x96: {  	[sflag:s14] =	ssyncset.done $0x0  }
0x97: {  	[sflag:s14] =	ssyncadd.s32 $0xFFFFC000  }
0x98: {  	[hbm4b:s25+s3] =	stream.linear.scatter [tilespmem:s9], [sflag:$0x2], $0x4000, $0x38;
	[tilespmem:$0x10C00] =	vst v63  }
0x99: {  	_ =	swait.ge [sflag:s4], $0x4000  }
0x9a: {  	[sflag:s4] =	ssyncset.done $0x0  }
0x9b: {  	[sflag:s4] =	ssyncadd.s32 $0xFFFFC000  }
0x9c: {  	[tilespmem:s9], [sflag:$0x1] =	stream.indirect.gather [hbm4b:s2+s6], $0x80, s26, s6, $0xb8;
	[tilespmem:$0x10C00] =	vst v63  }
0x9d: {  	_ =	swait.ge [sflag:s14], $0x4000  }
0x9e: {  	[sflag:s14] =	ssyncset.done $0x0  }
0x9f: {  	[sflag:s14] =	ssyncadd.s32 $0xFFFFC000  }
0xa0: {  	[hbm4b:s28+s3] =	stream.linear.scatter [tilespmem:s11], [sflag:$0x2], $0x4000, $0x38;
	[tilespmem:$0x10C00] =	vst v63  }
0xa1: {  	_ =	swait.ge [sflag:s4], $0x4000  }
0xa2: {  	[sflag:s4] =	ssyncset.done $0x0  }
0xa3: {  	[sflag:s4] =	ssyncadd.s32 $0xFFFFC000  }
0xa4: {  	_ =	swait.ge [sflag:s14], $0x4000  }
0xa5: {  	[sflag:s14] =	ssyncset.done $0x0  }
0xa6: {  	[sflag:s14] =	ssyncadd.s32 $0xFFFFC000  }
0xa7: {  	[hbm4b:s29+s3] =	stream.linear.scatter [tilespmem:s13], [sflag:$0x2], $0x4000, $0x38;
	[tilespmem:$0x10C00] =	vst v63  }
0xa8: {  	_ =	swait.ge [sflag:s4], $0x4000  }
0xa9: {  	[sflag:s4] =	ssyncset.done $0x0  }
0xaa: {  	[sflag:s4] =	ssyncadd.s32 $0xFFFFC000  }
0xab: {  	_ =	swait.ge [sflag:s14], $0x4000  }
0xac: {  	[sflag:s14] =	ssyncset.done $0x0  }
0xad: {  	[sflag:s14] =	ssyncadd.s32 $0xFFFFC000  }
0xae: {  	[hbm4b:s30+s3] =	stream.linear.scatter [tilespmem:s7], [sflag:$0x2], $0x4000, $0x38;
	[tilespmem:$0x10C00] =	vst v63  }
0xaf: {  	_ =	swait.ge [sflag:s4], $0x4000  }
0xb0: {  	[sflag:s4] =	ssyncset.done $0x0  }
0xb1: {  	p0 =	sne.s32 s1, $0x1;
	[sflag:s4] =	ssyncadd.s32 $0xFFFFC000  }
.Ltmp1:
0xb2: {  	_ =	swait.ge [sflag:s14], $0x4000;
	(pc) =	sbr.rel @p0 .LBB2_1-.Ltmp1, $4  }
0xb3: {  	[sflag:s14] =	ssyncset.done $0x0  }
0xb4: {  	[sflag:s14] =	ssyncadd.s32 $0xFFFFC000  }
0xb5: {  	[hbm4b:s31+s3] =	stream.linear.scatter [tilespmem:s9], [sflag:$0x2], $0x4000, $0x38;
	[tilespmem:$0x10C00] =	vst v63  }
0xb6: {  	s1 =	sadd.s32 $0xFFFFFFFF, s1;
	_ =	swait.ge [sflag:s4], $0x4000  }
.LBB2_2:
0xb7: {  	[sflag:s4] =	ssyncset.done $0x0  }
0xb8: {  	[sflag:s4] =	ssyncadd.s32 $0xFFFFC000  }
0xb9: {  	_ =	sfence.sel $0x180000  }
0xba: {  	[bflag:$0x0] =	sbarrier.arrive $0xFFFF  }
0xbb: {  	_ =	strace $0x9000004A  }
0xbc: {  	s0 =	stileid.u32;
	[bflag:$0x2] =	sbarrier.arrive $0xFFFF  }
0xbd: {  	p0 =	sne.s32 s0, $0x0;
	s0 =	rddreg [dreg:$0x3]  }
0xbe: {  	s0 =	sadd.s32 @!p0 $0x100000, s0  }
0xbf: {  	[sflag:s0] =	ssyncadd.tile.s32 @!p0 $0x1;
	_ =	shalt  }
.Lfunc_end2:
_tile_overlayer_lowered:
.L_overlay_start_2:
0xc0: {  	(tag) =	ssettag $0x2  }
0xc1: {  	s0 =	rddreg [dreg:$0x0];
	s2 =	stileid.u32  }
0xc2: {  	s1 =	rddreg [dreg:$0x1];
	p0 =	sne.s32 s2, $0x0  }
0xc3: {  	s3 =	rddreg [dreg:$0x2];
	[bflag:$0x3] =	sbarrier.arrive $0xFFFF;
	s2 =	simm.s32 @!p0 $0x1C02  }
0xc4: {  	[timem:s3], [sflag:s2] =	dma.local @!p0 [hbm:s0], s1  }
0xc5: {  	s0 =	simm.s32 @!p0 $0x2  }
0xc6: {  	_ =	swait.ge @!p0 [sflag:s0], s1  }
0xc7: {  	s1 =	ssub.s32 @!p0 $0x0, s1;
	[sflag:s0] =	ssyncset.done @!p0 $0x0  }
0xc8: {  	[sflag:s0] =	ssyncadd.s32 @!p0 s1  }
0xc9: {  	[bflag:$0x3] =	sbarrier.arrive $0xFFFF  }
0xca: {  	_ =	shalt  }

// kernel: kernel.13.cloned.1.call-start
scs
__scs_entry_jumppad:
0x0: {  	(pc) =	sbr.rel $0x88, $3  }
0x1: {  	(tag) =	ssettag $0x0;
	lr =	simm.s32 $0x1  }
0x2: {  	[smem:$0x3F95] =	sst lr;
	_ =	strace $0xD0000000  }
0x3: {  	_ = 	snop  }
0x4: {  	_ = 	snop  }
0x5: {  	_ = 	snop  }
0x6: {  	_ = 	snop  }
0x7: {  	_ = 	snop  }
__scs_overlays_trampoline_lowered:
0x8: {  	[smem:$0x3FA4] =	sst s0  }
0x9: {  	[smem:$0x3FA5] =	sst s1  }
0xa: {  	[smem:$0x3FA6] =	sst s2  }
0xb: {  	[smem:$0x3FA7] =	sst s3  }
0xc: {  	[smem:$0x3FA8] =	sst s4  }
0xd: {  	[smem:$0x3FA9] =	sst s5  }
0xe: {  	[smem:$0x3FAA] =	sst s6  }
0xf: {  	[smem:$0x3FAB] =	sst s7  }
0x10: {  	[smem:$0x3FAC] =	sst s8  }
0x11: {  	[smem:$0x3FAD] =	sst s9;
	s0 =	simm.s32 @!p0 $0x0  }
0x12: {  	s1 =	sld [smem:$0x3F93];
	s0 =	simm.s32 @p0 $0x1  }
0x13: {  	[smem:$0x3FAE] =	sst s0;
	s0 =	simm.s32 @!p1 $0x0  }
0x14: {  	s2 =	sld [smem:$0x3F92];
	s0 =	simm.s32 @p1 $0x1  }
0x15: {  	[smem:$0x3FAF] =	sst s0;
	s0 =	simm.s32 @!p2 $0x0  }
0x16: {  	s3 =	sld [smem:$0x3FDB];
	s0 =	simm.s32 @p2 $0x1  }
0x17: {  	s4 =	simm.s32 $0x1BF5;
	[smem:$0x3FB1] =	sst s0  }
0x18: {  	s0 =	sld [smem:$0x3F94];
	_ =	swait.ge [sflag:s4], $0x0  }
0x19: {  	s7 =	sld [smem:$0x3F95]  }
0x1a: {  	s8 =	sadd.s32 $0xFFFFE003, lr  }
0x1b: {  	s9 =	sadd.s32 $0xFFFFFEF7, lr;
	s5 =	simm.s32 $0xFFFFFFFF;
	p2 =	slt.u32 s8, $0xFFFFF086  }
0x1c: {  	p1 =	slt.u32 s9, $0xF7A;
	s5 =	simm.s32 @!p2 $0x0  }
0x1d: {  	s5 =	simm.s32 @p1 $0x1;
	p0 =	seq.s32 s7, s2  }
0x1e: {  	s7 =	smul.u32 @!p0 $0xF7A, s2;
	p2 =	seq.s32 @!p0 s5, $0x0  }
0x1f: {  	s9 =	smul.u32 $0xF7A, s1;
	s8 =	simm.s32 @!p0 $0x1BF5;
	p2 =	por !p2, p0  }
0x20: {  	[sflag:s8] =	ssyncset.s32 @!p0 $0xFFFFF086;
	s6 =	sadd.s32 @!p0 s3, s7;
	s7 =	simm.s32 @!p0 $0x108  }
0x21: {  	s3 =	sadd.s32 s3, s9;
	s6 =	sadd.s32 @!p0 $0x88, s6;
	s7 =	simm.s32 @p2 $0x1082  }
0x22: {  	[simem:s7], [sflag:s8] =	dma.local @!p0 [hbm:s6], $0xF7A  }
0x23: {  	s9 =	sor.u32 $0xD0000000, s2;
	s6 =	simm.s32 $0x108;
	_ =	swait.ge @!p0 [sflag:s8], $0x0  }
0x24: {  	s3 =	sadd.s32 $0x88, s3;
	s6 =	simm.s32 @!p1 $0x1082;
	[sflag:s4] =	ssyncset.s32 $0xFFFFF086  }
0x25: {  	[simem:s6], [sflag:s4] =	dma.local [hbm:s3], $0xF7A  }
0x26: {  	[smem:$0x3F95] =	sst s1;
	(tag) =	ssettag s2;
	_ =	strace s9  }
0x27: {  	s1 =	sld [smem:$0x3FA5]  }
0x28: {  	s2 =	sld [smem:$0x3FA6]  }
0x29: {  	s4 =	sld [smem:$0x3FA8]  }
0x2a: {  	p0 =	seq.s32 s5, $0x0;
	s5 =	sld [smem:$0x3FA9]  }
0x2b: {  	s6 =	sld [smem:$0x3FAA]  }
0x2c: {  	s7 =	sld [smem:$0x3FAB]  }
0x2d: {  	s3 =	simm.s32 $0x108;
	s8 =	sld [smem:$0x3FAC]  }
0x2e: {  	s3 =	simm.s32 @!p0 $0x1082;
	s9 =	sld [smem:$0x3FAD]  }
0x2f: {  	lr =	sadd.s32 s0, s3;
	s0 =	sld [smem:$0x3FA4]  }
0x30: {  	s3 =	sld [smem:$0x3FA7]  }
0x31: {  	[smem:$0x3FB0] =	sst s10  }
0x32: {  	s10 =	sld [smem:$0x3FAE];
	_ =	sdelay $0x3  }
0x33: {  	p0 =	seq.s32 s10, $0x1;
	s10 =	sld [smem:$0x3FB0];
	_ =	sdelay $0x3  }
0x34: {  	[smem:$0x3FB0] =	sst s10  }
0x35: {  	s10 =	sld [smem:$0x3FAF];
	_ =	sdelay $0x3  }
0x36: {  	p1 =	seq.s32 s10, $0x1;
	s10 =	sld [smem:$0x3FB0];
	_ =	sdelay $0x3  }
0x37: {  	[smem:$0x3FB0] =	sst s10  }
0x38: {  	s10 =	sld [smem:$0x3FB1]  }
0x39: {  	_ = 	snop;
	(pc) =	sbr.ind lr, $3  }
0x3a: {  	_ = 	snop  }
0x3b: {  	_ = 	snop  }
0x3c: {  	p2 =	seq.s32 s10, $0x1;
	s10 =	sld [smem:$0x3FB0]  }
0x3d: {  	_ =	shalt  }
0x3e: {  	_ =	shalt  }
0x3f: {  	_ =	shalt  }
0x40: {  	_ =	shalt  }
0x41: {  	_ =	shalt  }
0x42: {  	_ =	shalt  }
0x43: {  	_ =	shalt  }
0x44: {  	_ =	shalt  }
0x45: {  	_ =	shalt  }
0x46: {  	_ =	shalt  }
0x47: {  	_ =	shalt  }
0x48: {  	_ =	shalt  }
0x49: {  	_ =	shalt  }
0x4a: {  	_ =	shalt  }
0x4b: {  	_ =	shalt  }
0x4c: {  	_ =	shalt  }
0x4d: {  	_ =	shalt  }
0x4e: {  	_ =	shalt  }
0x4f: {  	_ =	shalt  }
0x50: {  	_ =	shalt  }
0x51: {  	_ =	shalt  }
0x52: {  	_ =	shalt  }
0x53: {  	_ =	shalt  }
0x54: {  	_ =	shalt  }
0x55: {  	_ =	shalt  }
0x56: {  	_ =	shalt  }
0x57: {  	_ =	shalt  }
0x58: {  	_ =	shalt  }
0x59: {  	_ =	shalt  }
0x5a: {  	_ =	shalt  }
0x5b: {  	_ =	shalt  }
0x5c: {  	_ =	shalt  }
0x5d: {  	_ =	shalt  }
0x5e: {  	_ =	shalt  }
0x5f: {  	_ =	shalt  }
0x60: {  	_ =	shalt  }
0x61: {  	_ =	shalt  }
0x62: {  	_ =	shalt  }
0x63: {  	_ =	shalt  }
0x64: {  	_ =	shalt  }
0x65: {  	_ =	shalt  }
0x66: {  	_ =	shalt  }
0x67: {  	_ =	shalt  }
0x68: {  	_ =	shalt  }
0x69: {  	_ =	shalt  }
0x6a: {  	_ =	shalt  }
0x6b: {  	_ =	shalt  }
0x6c: {  	_ =	shalt  }
0x6d: {  	_ =	shalt  }
0x6e: {  	_ =	shalt  }
0x6f: {  	_ =	shalt  }
0x70: {  	_ =	shalt  }
0x71: {  	_ =	shalt  }
0x72: {  	_ =	shalt  }
0x73: {  	_ =	shalt  }
0x74: {  	_ =	shalt  }
0x75: {  	_ =	shalt  }
0x76: {  	_ =	shalt  }
0x77: {  	_ =	shalt  }
0x78: {  	_ =	shalt  }
0x79: {  	_ =	shalt  }
0x7a: {  	_ =	shalt  }
0x7b: {  	_ =	shalt  }
0x7c: {  	_ =	shalt  }
0x7d: {  	_ =	shalt  }
0x7e: {  	_ =	shalt  }
0x7f: {  	_ =	shalt  }
0x80: {  	_ =	shalt  }
0x81: {  	_ =	shalt  }
0x82: {  	_ =	shalt  }
0x83: {  	_ =	shalt  }
0x84: {  	_ =	shalt  }
0x85: {  	_ =	shalt  }
0x86: {  	_ =	shalt  }
0x87: {  	_ =	shalt  }
.Lfunc_end0:
.L_simem_size_0:
called_computation.2_lowered:
.L_overlay_start_0:
0x88: {  	s2 =	sld [smem:$0x3FD9]  }
0x89: {  	s3 =	sld [smem:$0x3FFE];
	_ =	sdelay $0x1  }
0x8a: {  	s1 =	srdreg.scid  }
0x8b: {  	s0 =	sand.u32 $0x1, s1  }
0x8c: {  	s17 =	sshll.u32 s0, $0xA;
	s2 =	sadd.s32 s3, s2  }
0x8d: {  	s2 =	sadd.s32 s2, s17  }
0x8e: {  	[smem:$0x3FBC] =	sst s2  }
0x8f: {  	_ = 	snop  }
0x90: {  	s2 =	sld [smem:$0x3FD0];
	(tm) =	ssettm $0x1  }
0x91: {  	s18 =	sld [smem:$0x3FFB];
	_ =	sdelay $0x3  }
0x92: {  	_ =	strace s18  }
0x93: {  	s3 =	sld [smem:$0x3FFC];
	_ =	sdelay $0x3  }
0x94: {  	_ =	strace s3  }
0x95: {  	s3 =	sld [smem:$0x3FFD];
	_ =	sdelay $0x3  }
0x96: {  	_ =	strace s3  }
0x97: {  	_ =	strace $0x8FFFFFFF  }
0x98: {  	s19 =	sld [smem:$0x3FDB];
	_ =	sdelay $0x1  }
0x99: {  	s4 =	simm.s32 $_scs_section_size  }
0x9a: {  	s5 =	simm.s32 $_size__tile_overlayer_lowered;
	s6 =	simm.s32 $_tile_overlayer_lowered  }
0x9b: {  	s22 =	simm.s32 $0x1BFF;
	s21 =	sshll.u32 s6, $0x1;
	s3 =	sadd.s32 s4, s19  }
0x9c: {  	s7 =	simm.s32 $0x0;
	s20 =	sshll.u32 s5, $0x1;
	s5 =	sadd.s32 s21, s3  }
0x9d: {  	[timem:s7], [sflag:s22] =	dma.local [hbm:s5], s20  }
0x9e: {  	_ =	swait.ge [sflag:s22], s20  }
0x9f: {  	s4 =	ssub.s32 $0x0, s20;
	[sflag:s22] =	ssyncset.done $0x0  }
0xa0: {  	[sflag:s22] =	ssyncadd.s32 s4;
	_ =	sdelay $0x1  }
0xa1: {  	s23 =	simm.s32 $0x1B8B  }
0xa2: {  	_ =	swait.ge [sflag:s23], $0x1  }
0xa3: {  	[sflag:s23] =	ssyncset.done $0x0  }
0xa4: {  	s25 =	simm.s32 $0x1B8E;
	s24 =	sld [smem:$0x3FFE];
	[sflag:s23] =	ssyncadd.s32 $0xFFFFFFFF  }
0xa5: {  	s26 =	simm.s32 $execute0_lowered;
	[smem:$0x3FD2] =	sst s25  }
0xa6: {  	s5 =	sshll.u32 s26, $0x1;
	_ =	strace $0x8000004C;
	[dreg:$0x1] =	wrdreg $0xFFFFFFFF  }
0xa7: {  	s28 =	simm.s32 $_size_execute0_lowered;
	s3 =	sadd.s32 s3, s5;
	[dreg:$0x0] =	wrdreg $0x0  }
0xa8: {  	s5 =	sshll.u32 s28, $0x1;
	[dreg:$0x2] =	wrdreg s3  }
0xa9: {  	[dreg:$0x3] =	wrdreg s5  }
0xaa: {  	[dreg:$0x4] =	wrdreg $0xC0  }
0xab: {  	_ =	task [dreg:s7], $0x5FFFF  }
0xac: {  	[dreg:$0x1] =	wrdreg $0xFFFFFFFF  }
0xad: {  	[dreg:$0x0] =	wrdreg $0x60  }
0xae: {  	[dreg:$0x2] =	wrdreg s24  }
0xaf: {  	[dreg:$0x3] =	wrdreg s2  }
0xb0: {  	[dreg:$0x4] =	wrdreg $0x9  }
0xb1: {  	_ =	task.clear_ibuf [dreg:s7], $0x5FFFF;
	_ =	strace $0x9000004C  }
0xb2: {  	s29 =	simm.s32 $0x9;
	_ =	strace $0x8000004E  }
0xb3: {  	_ =	swait.ge [sflag:s29], $0x1  }
0xb4: {  	[sflag:s29] =	ssyncadd.s32 $0xFFFFFFFF  }
0xb5: {  	_ =	strace $0x9000004E  }
0xb6: {  	_ =	sfence  }
0xb7: {  	s30 =	sld [smem:$0x0];
	_ =	sdelay $0x2  }
0xb8: {  	s31 =	sshll.u32 s1, $0xD;
	s1 =	sshrl.u32 s1, $0x2  }
0xb9: {  	s3 =	sand.u32 $0x4000, s31;
	s1 =	sadd.s32 s1, s30  }
0xba: {  	s0 =	sor.u32 s3, s0;
	s1 =	sshll.u32 s1, $0x11  }
0xbb: {  	s0 =	sor.u32 s1, s0  }
0xbc: {  	s0 =	sadd.s32 $0x8F2B, s0  }
0xbd: {  	[sflag:s0] =	ssyncadd.remote.s32 $0x1  }
0xbe: {  	_ =	sfence.sel $0xFFFF  }
0xbf: {  	[dreg:$0x0] =	wrdreg $0xFFFFFFFF;
	(pc) =	sbr.abs _section_cstart, $3  }
0xc0: {  	[dreg:$0x1] =	wrdreg $0xFFFFFFFF  }
0xc1: {  	_ =	task.clear_ibuf [dreg:s7], $0x2FFFF;
	_ =	strace $0x9FFFFFFF  }
0xc2: {  	(tm) =	ssettm $0x7FFFFFFF  }
0xc3: {  	_ =	shalt  }
tec
execute0_lowered:
.L_overlay_start_1:
0x0: {  	(tag) =	ssettag $0x1  }
0x1: {  	s1 =	stileid.u32  }
0x2: {  	s9 =	rddreg [dreg:$0x0];
	s15 =	smul.u32 $0x28, s1  }
0x3: {  	s4 =	srdreg.scid;
	s16 =	smul.u32 $0x14000, s1  }
0x4: {  	s2 =	rddreg [dreg:$0x1];
	s11 =	sand.u32 $0x1, s4;
	s28 =	smul.u32 $0xA0000, s1  }
0x5: {  	s0 =	rddreg [dreg:$0x2];
	s26 =	smul.u32 $0x14, s11  }
0x6: {  	s3 =	simm.s32 $0x0;
	s22 =	sshll.u32 s1, $0x1;
	s18 =	smul.u32 $0xA000, s11  }
0x7: {  	[smem:$0x7FF] =	sst s3;
	s19 =	sor.u32 s11, s22;
	s20 =	smul.u32 $0x50000, s11  }
0x8: {  	s12 =	sadd.s32 $0x2800, s9;
	s4 =	sadd.s32 $0xA7E00, s9;
	s5 =	smul.u32 $0x140, s19  }
0x9: {  	p0 =	slt.u32 s1, $0x8;
	s6 =	ssub.s32 $0x2, s11;
	s7 =	smul.u32 $0x50000, s19  }
0xa: {  	_ =	strace $0x8000004D;
	s8 =	sshrl.u32 s6, $0x1;
	s13 =	smul.u32 $0xA000, s19  }
0xb: {  	s10 =	ssub.s32 s6, s8;
	s11 =	sadd.s32 s26, s15;
	s31 =	sadd.s32 s20, s28  }
0xc: {  	s15 =	simm.s32 $0x2;
	s5 =	sand.u32 $0x3F80, s5;
	s23 =	sadd.s32 $0xFFB1E000, s7  }
0xd: {  	s24 =	sadd.s32 $0xFFB22000, s7;
	s14 =	sadd.s32 $0xFFB26000, s7;
	s13 =	sadd.s32 s12, s13  }
0xe: {  	s10 =	smax.u32 s10, $0x1;
	s12 =	sadd.s32 s16, s12;
	s29 =	sshll.u32 s11, $0x7  }
0xf: {  	s16 =	simm.s32 $0x1000;
	s5 =	sadd.s32 s5, s9;
	s6 =	sshrl.u32 s23, $0x3  }
0x10: {  	s8 =	sshrl.u32 s24, $0x3;
	s25 =	sshrl.u32 s14, $0x3;
	s17 =	sadd.s32 $0x800, s13  }
0x11: {  	s9 =	sadd.s32 $0x9E800, s9;
	s30 =	sadd.s32 s18, s12;
	s12 =	sand.u32 $0x200, s29  }
.Ltmp0:
0x12: {  	s14 =	sadd.s32 $0xFFB2A000, s31;
	s18 =	simm.s32 $0x9000;
	(pc) =	sbr.rel .LBB2_1-.Ltmp0, $4  }
0x13: {  	s5 =	sadd.s32 $0xA5400, s5;
	s6 =	sadd.s32 s4, s6;
	s7 =	sadd.s32 s4, s8  }
0x14: {  	s8 =	sadd.s32 s4, s25;
	s6 =	smov.u32 @p0 s13;
	s13 =	sadd.s32 $0x1000, s13  }
0x15: {  	s7 =	smov.u32 @p0 s17;
	s17 =	simm.s32 $0x5000;
	s8 =	smov.u32 @p0 s13  }
0x16: {  	s13 =	sadd.s32 $0x1800, s30;
	p0 =	sne.s32 s19, $0xF;
	s19 =	simm.s32 $0x0  }
.LBB2_7:
0x17: {  	s20 =	simm.s32 @!p0 $0x0;
	s21 =	simm.s32 @!p0 $0x1000;
	s22 =	simm.s32 @!p0 $0x2  }
0x18: {  	[tilespmem:s21], [sflag:$0x2] =	stream.linear.gather @!p0 [hbm4b:s9+s20], $0x2000, $0x38;
	[tilespmem:$0x11000] =	vst v63  }
0x19: {  	_ =	swait.ge @!p0 [sflag:s22], $0x2000  }
0x1a: {  	[sflag:s22] =	ssyncset.done @!p0 $0x0  }
0x1b: {  	s23 =	simm.s32 @!p0 $0x3000;
	[sflag:s22] =	ssyncadd.s32 @!p0 $0xFFFFE000  }
0x1c: {  	[tilespmem:s23], [sflag:$0x2] =	stream.linear.gather @!p0 [hbm4b:s4+s20], $0x2000, $0x38;
	[tilespmem:$0x11000] =	vst v63  }
0x1d: {  	s19 =	sadd.s32 $0x1, s19;
	_ =	swait.ge @!p0 [sflag:s22], $0x2000  }
0x1e: {  	p1 =	sne.s32 s19, s10;
	s20 =	simm.s32 @!p0 $0x80;
	[sflag:s22] =	ssyncset.done @!p0 $0x0  }
.Ltmp1:
0x1f: {  	s23 =	simm.s32 @!p0 $0x800;
	[sflag:s22] =	ssyncadd.s32 @!p0 $0xFFFFE000;
	(pc) =	sbr.rel @!p1 .LBB2_8-.Ltmp1, $4  }
0x20: {  	[hbm4b:s2+s20] =	stream.indirect.scatter @!p0 [tilespmem:s21], [sflag:$0x2], $0x80, s23, s20, $0xb8;
	[tilespmem:$0x11000] =	vst v63  }
0x21: {  	_ =	swait.ge @!p0 [sflag:s22], $0x4000  }
0x22: {  	[sflag:s22] =	ssyncset.done @!p0 $0x0  }
0x23: {  	[sflag:s22] =	ssyncadd.s32 @!p0 $0xFFFFC000  }
.LBB2_1:
0x24: {  	[tilespmem:s3], [sflag:$0x2] =	stream.linear.gather [hbm4b:s5+s3], $0x1000, $0x38;
	[tilespmem:$0x11000] =	vst v63  }
0x25: {  	_ =	swait.ge [sflag:s15], $0x1000  }
0x26: {  	[sflag:s15] =	ssyncset.done $0x0  }
0x27: {  	[sflag:s15] =	ssyncadd.s32 $0xFFFFF000  }
0x28: {  	[tilespmem:s16], [sflag:$0x1] =	stream.linear.gather [hbm4b:s6+s3], $0x4000, $0x38;
	[tilespmem:$0x11000] =	vst v63  }
.Ltmp2:
0x29: {  	_ = 	snop;
	(pc) =	sbr.rel .LBB2_2-.Ltmp2, $4  }
0x2a: {  	s20 =	simm.s32 $0x30000;
	s21 =	smov.u32 s13  }
0x2b: {  	[tilespmem:s17], [sflag:$0x1] =	stream.linear.gather [hbm4b:s7+s3], $0x4000, $0x38;
	[tilespmem:$0x11000] =	vst v63  }
0x2c: {  	s22 =	simm.s32 $0x0;
	s23 =	smov.u32 s12;
	s24 =	simm.s32 $0x0  }
0x2d: {  	[tilespmem:s18], [sflag:$0x1] =	stream.linear.gather [hbm4b:s8+s3], $0x4000, $0x38;
	[tilespmem:$0x11000] =	vst v63  }
.LBB2_5:
0x2e: {  	s28 =	sand.u32 $0x30000, s20  }
0x2f: {  	s28 =	sshrl.u32 s28, $0x2  }
0x30: {  	s28 =	sor.u32 $0x1000, s28  }
0x31: {  	[tilespmem:s28], [sflag:$0x1] =	stream.linear.gather [hbm4b:s26+s3], $0x4000, $0x38;
	[tilespmem:$0x11000] =	vst v63  }
.LBB2_6:
0x32: {  	s26 =	sadd.s32 $0xFFFFFEC8, s25;
	p1 =	sgt.u32 s25, $0x270  }
0x33: {  	p2 =	seq.s32 @!p1 s26, $0x0  }
0x34: {  	p1 =	por p2, p1  }
0x35: {  	s25 =	simm.s32 @!p1 $0x1  }
0x36: {  	_ =	swait.ge @!p1 [sflag:s25], $0x4000  }
0x37: {  	s26 =	sand.u32 @!p1 $0xC000, s22;
	[sflag:s25] =	ssyncset.done @!p1 $0x0  }
0x38: {  	s26 =	sor.u32 @!p1 $0x1000, s26;
	[sflag:s25] =	ssyncadd.s32 @!p1 $0xFFFFC000;
	s25 =	simm.s32 @!p1 $0x80  }
0x39: {  	[hbm4b:s2+s25] =	stream.indirect.scatter @!p1 [tilespmem:s26], [sflag:$0x2], $0x80, s23, s25, $0xb8;
	[tilespmem:$0x11000] =	vst v63  }
0x3a: {  	s25 =	simm.s32 @!p1 $0x2  }
0x3b: {  	_ =	swait.ge @!p1 [sflag:s25], $0x4000  }
0x3c: {  	s24 =	sadd.s32 $0x1, s24;
	[sflag:s25] =	ssyncset.done @!p1 $0x0  }
0x3d: {  	[sflag:s25] =	ssyncadd.s32 @!p1 $0xFFFFC000;
	p1 =	sne.s32 s24, $0x14  }
.Ltmp3:
0x3e: {  	_ = 	snop;
	(pc) =	sbr.rel @!p1 .LBB2_7-.Ltmp3, $3  }
0x3f: {  	_ =	sdelay $0x1  }
0x40: {  	s20 =	sadd.s32 $0x10000, s20  }
0x41: {  	s21 =	sadd.s32 $0x800, s21;
	s22 =	sadd.s32 $0x4000, s22;
	s23 =	sadd.s32 $0x80, s23  }
.LBB2_2:
0x42: {  	s25 =	sadd.s32 s24, s11  }
0x43: {  	p1 =	sgt.u32 s24, $0x10;
	s26 =	sadd.s32 $0x3, s25  }
0x44: {  	p2 =	slt.u32 @!p1 s26, $0x138  }
0x45: {  	p2 =	por p1, !p2  }
.Ltmp4:
0x46: {  	_ = 	snop;
	(pc) =	sbr.rel @!p2 .LBB2_5-.Ltmp4, $2  }
0x47: {  	_ =	sdelay $0x2  }
0x48: {  	s26 =	smov.u32 s21  }
0x49: {  	s26 =	sadd.s32 $0xFFFFFECA, s25  }
0x4a: {  	p2 =	sgt.u32 @!p1 s26, $0x137  }
0x4b: {  	p1 =	por p1, p2  }
.Ltmp5:
0x4c: {  	_ = 	snop;
	(pc) =	sbr.rel @p1 .LBB2_6-.Ltmp5, $1  }
0x4d: {  	_ =	sdelay $0x3  }
.Ltmp6:
0x4e: {  	(pc) =	sbr.rel .LBB2_5-.Ltmp6, $4  }
0x4f: {  	_ = 	snop  }
0x50: {  	s26 =	sadd.s32 s22, s14  }
0x51: {  	s26 =	sshrl.u32 s26, $0x3  }
0x52: {  	s26 =	sadd.s32 s4, s26  }
.LBB2_8:
0x53: {  	_ =	sfence.sel $0x180000  }
0x54: {  	[bflag:$0x0] =	sbarrier.arrive $0xFFFF  }
0x55: {  	p0 =	sne.s32 s1, $0x0;
	_ =	strace $0x9000004D  }
0x56: {  	s0 =	sadd.s32 @!p0 $0x100000, s0;
	[bflag:$0x2] =	sbarrier.arrive $0xFFFF  }
0x57: {  	[sflag:s0] =	ssyncadd.tile.s32 @!p0 $0x1;
	_ =	shalt  }
.Lfunc_end2:
_tile_overlayer_lowered:
.L_overlay_start_2:
0x58: {  	(tag) =	ssettag $0x2  }
0x59: {  	s0 =	rddreg [dreg:$0x0];
	s2 =	stileid.u32  }
0x5a: {  	s1 =	rddreg [dreg:$0x1];
	p0 =	sne.s32 s2, $0x0  }
0x5b: {  	s3 =	rddreg [dreg:$0x2];
	[bflag:$0x3] =	sbarrier.arrive $0xFFFF;
	s2 =	simm.s32 @!p0 $0x1C02  }
0x5c: {  	[timem:s3], [sflag:s2] =	dma.local @!p0 [hbm:s0], s1  }
0x5d: {  	s0 =	simm.s32 @!p0 $0x2  }
0x5e: {  	_ =	swait.ge @!p0 [sflag:s0], s1  }
0x5f: {  	s1 =	ssub.s32 @!p0 $0x0, s1;
	[sflag:s0] =	ssyncset.done @!p0 $0x0  }
0x60: {  	[sflag:s0] =	ssyncadd.s32 @!p0 s1  }
0x61: {  	[bflag:$0x3] =	sbarrier.arrive $0xFFFF  }
0x62: {  	_ =	shalt  }

// kernel: kernel.7.cloned.1.call-start
scs
__scs_entry_jumppad:
0x0: {  	(pc) =	sbr.rel $0x88, $3  }
0x1: {  	(tag) =	ssettag $0x0;
	lr =	simm.s32 $0x1  }
0x2: {  	[smem:$0x3F95] =	sst lr;
	_ =	strace $0xD0000000  }
0x3: {  	_ = 	snop  }
0x4: {  	_ = 	snop  }
0x5: {  	_ = 	snop  }
0x6: {  	_ = 	snop  }
0x7: {  	_ = 	snop  }
__scs_overlays_trampoline_lowered:
0x8: {  	[smem:$0x3FA4] =	sst s0  }
0x9: {  	[smem:$0x3FA5] =	sst s1  }
0xa: {  	[smem:$0x3FA6] =	sst s2  }
0xb: {  	[smem:$0x3FA7] =	sst s3  }
0xc: {  	[smem:$0x3FA8] =	sst s4  }
0xd: {  	[smem:$0x3FA9] =	sst s5  }
0xe: {  	[smem:$0x3FAA] =	sst s6  }
0xf: {  	[smem:$0x3FAB] =	sst s7  }
0x10: {  	[smem:$0x3FAC] =	sst s8  }
0x11: {  	[smem:$0x3FAD] =	sst s9;
	s0 =	simm.s32 @!p0 $0x0  }
0x12: {  	s1 =	sld [smem:$0x3F93];
	s0 =	simm.s32 @p0 $0x1  }
0x13: {  	[smem:$0x3FAE] =	sst s0;
	s0 =	simm.s32 @!p1 $0x0  }
0x14: {  	s2 =	sld [smem:$0x3F92];
	s0 =	simm.s32 @p1 $0x1  }
0x15: {  	[smem:$0x3FAF] =	sst s0;
	s0 =	simm.s32 @!p2 $0x0  }
0x16: {  	s3 =	sld [smem:$0x3FDB];
	s0 =	simm.s32 @p2 $0x1  }
0x17: {  	s4 =	simm.s32 $0x1BF5;
	[smem:$0x3FB1] =	sst s0  }
0x18: {  	s0 =	sld [smem:$0x3F94];
	_ =	swait.ge [sflag:s4], $0x0  }
0x19: {  	s7 =	sld [smem:$0x3F95]  }
0x1a: {  	s8 =	sadd.s32 $0xFFFFE003, lr  }
0x1b: {  	s9 =	sadd.s32 $0xFFFFFEF7, lr;
	s5 =	simm.s32 $0xFFFFFFFF;
	p2 =	slt.u32 s8, $0xFFFFF086  }
0x1c: {  	p1 =	slt.u32 s9, $0xF7A;
	s5 =	simm.s32 @!p2 $0x0  }
0x1d: {  	s5 =	simm.s32 @p1 $0x1;
	p0 =	seq.s32 s7, s2  }
0x1e: {  	s7 =	smul.u32 @!p0 $0xF7A, s2;
	p2 =	seq.s32 @!p0 s5, $0x0  }
0x1f: {  	s9 =	smul.u32 $0xF7A, s1;
	s8 =	simm.s32 @!p0 $0x1BF5;
	p2 =	por !p2, p0  }
0x20: {  	[sflag:s8] =	ssyncset.s32 @!p0 $0xFFFFF086;
	s6 =	sadd.s32 @!p0 s3, s7;
	s7 =	simm.s32 @!p0 $0x108  }
0x21: {  	s3 =	sadd.s32 s3, s9;
	s6 =	sadd.s32 @!p0 $0x88, s6;
	s7 =	simm.s32 @p2 $0x1082  }
0x22: {  	[simem:s7], [sflag:s8] =	dma.local @!p0 [hbm:s6], $0xF7A  }
0x23: {  	s9 =	sor.u32 $0xD0000000, s2;
	s6 =	simm.s32 $0x108;
	_ =	swait.ge @!p0 [sflag:s8], $0x0  }
0x24: {  	s3 =	sadd.s32 $0x88, s3;
	s6 =	simm.s32 @!p1 $0x1082;
	[sflag:s4] =	ssyncset.s32 $0xFFFFF086  }
0x25: {  	[simem:s6], [sflag:s4] =	dma.local [hbm:s3], $0xF7A  }
0x26: {  	[smem:$0x3F95] =	sst s1;
	(tag) =	ssettag s2;
	_ =	strace s9  }
0x27: {  	s1 =	sld [smem:$0x3FA5]  }
0x28: {  	s2 =	sld [smem:$0x3FA6]  }
0x29: {  	s4 =	sld [smem:$0x3FA8]  }
0x2a: {  	p0 =	seq.s32 s5, $0x0;
	s5 =	sld [smem:$0x3FA9]  }
0x2b: {  	s6 =	sld [smem:$0x3FAA]  }
0x2c: {  	s7 =	sld [smem:$0x3FAB]  }
0x2d: {  	s3 =	simm.s32 $0x108;
	s8 =	sld [smem:$0x3FAC]  }
0x2e: {  	s3 =	simm.s32 @!p0 $0x1082;
	s9 =	sld [smem:$0x3FAD]  }
0x2f: {  	lr =	sadd.s32 s0, s3;
	s0 =	sld [smem:$0x3FA4]  }
0x30: {  	s3 =	sld [smem:$0x3FA7]  }
0x31: {  	[smem:$0x3FB0] =	sst s10  }
0x32: {  	s10 =	sld [smem:$0x3FAE];
	_ =	sdelay $0x3  }
0x33: {  	p0 =	seq.s32 s10, $0x1;
	s10 =	sld [smem:$0x3FB0];
	_ =	sdelay $0x3  }
0x34: {  	[smem:$0x3FB0] =	sst s10  }
0x35: {  	s10 =	sld [smem:$0x3FAF];
	_ =	sdelay $0x3  }
0x36: {  	p1 =	seq.s32 s10, $0x1;
	s10 =	sld [smem:$0x3FB0];
	_ =	sdelay $0x3  }
0x37: {  	[smem:$0x3FB0] =	sst s10  }
0x38: {  	s10 =	sld [smem:$0x3FB1]  }
0x39: {  	_ = 	snop;
	(pc) =	sbr.ind lr, $3  }
0x3a: {  	_ = 	snop  }
0x3b: {  	_ = 	snop  }
0x3c: {  	p2 =	seq.s32 s10, $0x1;
	s10 =	sld [smem:$0x3FB0]  }
0x3d: {  	_ =	shalt  }
0x3e: {  	_ =	shalt  }
0x3f: {  	_ =	shalt  }
0x40: {  	_ =	shalt  }
0x41: {  	_ =	shalt  }
0x42: {  	_ =	shalt  }
0x43: {  	_ =	shalt  }
0x44: {  	_ =	shalt  }
0x45: {  	_ =	shalt  }
0x46: {  	_ =	shalt  }
0x47: {  	_ =	shalt  }
0x48: {  	_ =	shalt  }
0x49: {  	_ =	shalt  }
0x4a: {  	_ =	shalt  }
0x4b: {  	_ =	shalt  }
0x4c: {  	_ =	shalt  }
0x4d: {  	_ =	shalt  }
0x4e: {  	_ =	shalt  }
0x4f: {  	_ =	shalt  }
0x50: {  	_ =	shalt  }
0x51: {  	_ =	shalt  }
0x52: {  	_ =	shalt  }
0x53: {  	_ =	shalt  }
0x54: {  	_ =	shalt  }
0x55: {  	_ =	shalt  }
0x56: {  	_ =	shalt  }
0x57: {  	_ =	shalt  }
0x58: {  	_ =	shalt  }
0x59: {  	_ =	shalt  }
0x5a: {  	_ =	shalt  }
0x5b: {  	_ =	shalt  }
0x5c: {  	_ =	shalt  }
0x5d: {  	_ =	shalt  }
0x5e: {  	_ =	shalt  }
0x5f: {  	_ =	shalt  }
0x60: {  	_ =	shalt  }
0x61: {  	_ =	shalt  }
0x62: {  	_ =	shalt  }
0x63: {  	_ =	shalt  }
0x64: {  	_ =	shalt  }
0x65: {  	_ =	shalt  }
0x66: {  	_ =	shalt  }
0x67: {  	_ =	shalt  }
0x68: {  	_ =	shalt  }
0x69: {  	_ =	shalt  }
0x6a: {  	_ =	shalt  }
0x6b: {  	_ =	shalt  }
0x6c: {  	_ =	shalt  }
0x6d: {  	_ =	shalt  }
0x6e: {  	_ =	shalt  }
0x6f: {  	_ =	shalt  }
0x70: {  	_ =	shalt  }
0x71: {  	_ =	shalt  }
0x72: {  	_ =	shalt  }
0x73: {  	_ =	shalt  }
0x74: {  	_ =	shalt  }
0x75: {  	_ =	shalt  }
0x76: {  	_ =	shalt  }
0x77: {  	_ =	shalt  }
0x78: {  	_ =	shalt  }
0x79: {  	_ =	shalt  }
0x7a: {  	_ =	shalt  }
0x7b: {  	_ =	shalt  }
0x7c: {  	_ =	shalt  }
0x7d: {  	_ =	shalt  }
0x7e: {  	_ =	shalt  }
0x7f: {  	_ =	shalt  }
0x80: {  	_ =	shalt  }
0x81: {  	_ =	shalt  }
0x82: {  	_ =	shalt  }
0x83: {  	_ =	shalt  }
0x84: {  	_ =	shalt  }
0x85: {  	_ =	shalt  }
0x86: {  	_ =	shalt  }
0x87: {  	_ =	shalt  }
.Lfunc_end0:
.L_simem_size_0:
called_computation_lowered:
.L_overlay_start_0:
0x88: {  	s2 =	sld [smem:$0x3FD9]  }
0x89: {  	s3 =	sld [smem:$0x3FFE];
	_ =	sdelay $0x1  }
0x8a: {  	s1 =	srdreg.scid  }
0x8b: {  	s0 =	sand.u32 $0x1, s1  }
0x8c: {  	s17 =	sshll.u32 s0, $0xA;
	s2 =	sadd.s32 s3, s2  }
0x8d: {  	s2 =	sadd.s32 s2, s17  }
0x8e: {  	[smem:$0x3FBC] =	sst s2  }
0x8f: {  	_ = 	snop  }
0x90: {  	s2 =	sld [smem:$0x3FC9];
	(tm) =	ssettm $0x1  }
0x91: {  	s18 =	sld [smem:$0x3FFB];
	_ =	sdelay $0x3  }
0x92: {  	_ =	strace s18  }
0x93: {  	s3 =	sld [smem:$0x3FFC];
	_ =	sdelay $0x3  }
0x94: {  	_ =	strace s3  }
0x95: {  	s3 =	sld [smem:$0x3FFD];
	_ =	sdelay $0x3  }
0x96: {  	_ =	strace s3  }
0x97: {  	_ =	strace $0x8FFFFFFF  }
0x98: {  	s19 =	sld [smem:$0x3FDB];
	_ =	sdelay $0x1  }
0x99: {  	s4 =	simm.s32 $_scs_section_size  }
0x9a: {  	s5 =	simm.s32 $_size__tile_overlayer_lowered;
	s6 =	simm.s32 $_tile_overlayer_lowered  }
0x9b: {  	s22 =	simm.s32 $0x1BFF;
	s21 =	sshll.u32 s6, $0x1;
	s3 =	sadd.s32 s4, s19  }
0x9c: {  	s7 =	simm.s32 $0x0;
	s20 =	sshll.u32 s5, $0x1;
	s5 =	sadd.s32 s21, s3  }
0x9d: {  	[timem:s7], [sflag:s22] =	dma.local [hbm:s5], s20  }
0x9e: {  	_ =	swait.ge [sflag:s22], s20  }
0x9f: {  	s4 =	ssub.s32 $0x0, s20;
	[sflag:s22] =	ssyncset.done $0x0  }
0xa0: {  	[sflag:s22] =	ssyncadd.s32 s4;
	_ =	sdelay $0x1  }
0xa1: {  	s23 =	simm.s32 $0x1B8B  }
0xa2: {  	_ =	swait.ge [sflag:s23], $0x1  }
0xa3: {  	[sflag:s23] =	ssyncset.done $0x0  }
0xa4: {  	s25 =	simm.s32 $0x1B8E;
	s24 =	sld [smem:$0x3FFE];
	[sflag:s23] =	ssyncadd.s32 $0xFFFFFFFF  }
0xa5: {  	s26 =	simm.s32 $execute0_lowered;
	[smem:$0x3FD2] =	sst s25  }
0xa6: {  	s5 =	sshll.u32 s26, $0x1;
	_ =	strace $0x80000046;
	[dreg:$0x1] =	wrdreg $0xFFFFFFFF  }
0xa7: {  	s28 =	simm.s32 $_size_execute0_lowered;
	s3 =	sadd.s32 s3, s5;
	[dreg:$0x0] =	wrdreg $0x0  }
0xa8: {  	s5 =	sshll.u32 s28, $0x1;
	[dreg:$0x2] =	wrdreg s3  }
0xa9: {  	[dreg:$0x3] =	wrdreg s5  }
0xaa: {  	[dreg:$0x4] =	wrdreg $0xC0  }
0xab: {  	_ =	task [dreg:s7], $0x5FFFF  }
0xac: {  	[dreg:$0x1] =	wrdreg $0xFFFFFFFF  }
0xad: {  	[dreg:$0x0] =	wrdreg $0x60  }
0xae: {  	[dreg:$0x2] =	wrdreg s2  }
0xaf: {  	[dreg:$0x3] =	wrdreg s24  }
0xb0: {  	[dreg:$0x4] =	wrdreg $0x9  }
0xb1: {  	_ =	task.clear_ibuf [dreg:s7], $0x5FFFF;
	_ =	strace $0x90000046  }
0xb2: {  	s29 =	simm.s32 $0x9;
	_ =	strace $0x80000048  }
0xb3: {  	_ =	swait.ge [sflag:s29], $0x1  }
0xb4: {  	[sflag:s29] =	ssyncadd.s32 $0xFFFFFFFF  }
0xb5: {  	_ =	strace $0x90000048  }
0xb6: {  	_ =	sfence  }
0xb7: {  	s30 =	sld [smem:$0x0];
	_ =	sdelay $0x2  }
0xb8: {  	s31 =	sshll.u32 s1, $0xD;
	s1 =	sshrl.u32 s1, $0x2  }
0xb9: {  	s3 =	sand.u32 $0x4000, s31;
	s1 =	sadd.s32 s1, s30  }
0xba: {  	s0 =	sor.u32 s3, s0;
	s1 =	sshll.u32 s1, $0x11  }
0xbb: {  	s0 =	sor.u32 s1, s0  }
0xbc: {  	s0 =	sadd.s32 $0x8F2B, s0  }
0xbd: {  	[sflag:s0] =	ssyncadd.remote.s32 $0x1  }
0xbe: {  	_ =	sfence.sel $0xFFFF  }
0xbf: {  	[dreg:$0x0] =	wrdreg $0xFFFFFFFF;
	(pc) =	sbr.abs _section_cstart, $3  }
0xc0: {  	[dreg:$0x1] =	wrdreg $0xFFFFFFFF  }
0xc1: {  	_ =	task.clear_ibuf [dreg:s7], $0x2FFFF;
	_ =	strace $0x9FFFFFFF  }
0xc2: {  	(tm) =	ssettm $0x7FFFFFFF  }
0xc3: {  	_ =	shalt  }
tec
execute0_lowered:
.L_overlay_start_1:
0x0: {  	(tag) =	ssettag $0x1  }
0x1: {  	s1 =	srdreg.scid;
	s0 =	stileid.u32  }
0x2: {  	s1 =	sand.u32 $0x1, s1;
	s2 =	sshll.u32 s0, $0x1  }
0x3: {  	s10 =	sor.u32 s1, s2  }
0x4: {  	s4 =	smul.u32 $0xA0, s10;
	_ =	sdelay $0x1  }
0x5: {  	s15 =	rddreg [dreg:$0x1];
	s3 =	simm.s32 $0x0;
	s4 =	sand.u32 $0x1F80, s4  }
0x6: {  	[smem:$0x7FF] =	sst s3;
	s4 =	sadd.s32 s4, s15  }
0x7: {  	s2 =	rddreg [dreg:$0x0];
	s4 =	sadd.s32 $0x2800, s4  }
0x8: {  	_ =	strace $0x80000047;
	[dreg:$0x3] =	wrdreg s4  }
0x9: {  	s4 =	simm.s32 $0x2;
	s5 =	rddreg [dreg:$0x3]  }
0xa: {  	[tilespmem:s3], [sflag:$0x2] =	stream.linear.gather [hbm4b:s5+s3], $0xC00, $0x38;
	[tilespmem:$0x10C00] =	vst v63  }
0xb: {  	_ =	swait.ge [sflag:s4], $0xC00  }
0xc: {  	s6 =	simm.s32 $0x80;
	s26 =	sshll.u32 s10, $0x8;
	[sflag:s4] =	ssyncset.done $0x0  }
0xd: {  	s7 =	simm.s32 $0xC00;
	s5 =	sand.u32 $0x300, s26;
	[sflag:s4] =	ssyncadd.s32 $0xFFFFF400  }
0xe: {  	[tilespmem:s7], [sflag:$0x1] =	stream.indirect.gather [hbm4b:s2+s6], $0x80, s5, s6, $0xb8;
	[tilespmem:$0x10C00] =	vst v63  }
0xf: {  	s9 =	simm.s32 $0x4C00;
	s8 =	sor.u32 $0x80, s5  }
0x10: {  	[tilespmem:s9], [sflag:$0x1] =	stream.indirect.gather [hbm4b:s2+s6], $0x80, s8, s6, $0xb8;
	[tilespmem:$0x10C00] =	vst v63  }
0x11: {  	s11 =	simm.s32 $0x8C00;
	s16 =	smul.u32 $0x5000, s10;
	s10 =	sadd.s32 $0x100, s5  }
0x12: {  	[tilespmem:s11], [sflag:$0x1] =	stream.indirect.gather [hbm4b:s2+s6], $0x80, s10, s6, $0xb8;
	[tilespmem:$0x10C00] =	vst v63  }
0x13: {  	s13 =	simm.s32 $0xCC00;
	s14 =	simm.s32 $0x1;
	s12 =	sadd.s32 $0x180, s5  }
0x14: {  	[tilespmem:s13], [sflag:$0x1] =	stream.indirect.gather [hbm4b:s2+s6], $0x80, s12, s6, $0xb8;
	[tilespmem:$0x10C00] =	vst v63  }
0x15: {  	_ =	swait.ge [sflag:s14], $0x4000  }
0x16: {  	s31 =	sadd.s32 s16, s15;
	[sflag:s14] =	ssyncset.done $0x0  }
0x17: {  	s15 =	sadd.s32 $0x3E00, s31;
	[sflag:s14] =	ssyncadd.s32 $0xFFFFC000  }
0x18: {  	[hbm4b:s15+s3] =	stream.linear.scatter [tilespmem:s7], [sflag:$0x2], $0x4000, $0x38;
	[tilespmem:$0x10C00] =	vst v63  }
0x19: {  	_ =	swait.ge [sflag:s4], $0x4000  }
0x1a: {  	[sflag:s4] =	ssyncset.done $0x0  }
0x1b: {  	s16 =	sadd.s32 $0x200, s5;
	[sflag:s4] =	ssyncadd.s32 $0xFFFFC000  }
0x1c: {  	[tilespmem:s7], [sflag:$0x1] =	stream.indirect.gather [hbm4b:s2+s6], $0x80, s16, s6, $0xb8;
	[tilespmem:$0x10C00] =	vst v63  }
0x1d: {  	_ =	swait.ge [sflag:s14], $0x4000  }
0x1e: {  	[sflag:s14] =	ssyncset.done $0x0  }
0x1f: {  	s17 =	sadd.s32 $0x4600, s31;
	[sflag:s14] =	ssyncadd.s32 $0xFFFFC000  }
0x20: {  	[hbm4b:s17+s3] =	stream.linear.scatter [tilespmem:s9], [sflag:$0x2], $0x4000, $0x38;
	[tilespmem:$0x10C00] =	vst v63  }
0x21: {  	_ =	swait.ge [sflag:s4], $0x4000  }
0x22: {  	[sflag:s4] =	ssyncset.done $0x0  }
0x23: {  	s18 =	sadd.s32 $0x280, s5;
	[sflag:s4] =	ssyncadd.s32 $0xFFFFC000  }
0x24: {  	[tilespmem:s9], [sflag:$0x1] =	stream.indirect.gather [hbm4b:s2+s6], $0x80, s18, s6, $0xb8;
	[tilespmem:$0x10C00] =	vst v63  }
0x25: {  	_ =	swait.ge [sflag:s14], $0x4000  }
0x26: {  	[sflag:s14] =	ssyncset.done $0x0  }
0x27: {  	s19 =	sadd.s32 $0x4E00, s31;
	[sflag:s14] =	ssyncadd.s32 $0xFFFFC000  }
0x28: {  	[hbm4b:s19+s3] =	stream.linear.scatter [tilespmem:s11], [sflag:$0x2], $0x4000, $0x38;
	[tilespmem:$0x10C00] =	vst v63  }
0x29: {  	_ =	swait.ge [sflag:s4], $0x4000  }
0x2a: {  	[sflag:s4] =	ssyncset.done $0x0  }
0x2b: {  	s20 =	sadd.s32 $0x300, s5;
	[sflag:s4] =	ssyncadd.s32 $0xFFFFC000  }
0x2c: {  	[tilespmem:s11], [sflag:$0x1] =	stream.indirect.gather [hbm4b:s2+s6], $0x80, s20, s6, $0xb8;
	[tilespmem:$0x10C00] =	vst v63  }
0x2d: {  	_ =	swait.ge [sflag:s14], $0x4000  }
0x2e: {  	[sflag:s14] =	ssyncset.done $0x0  }
0x2f: {  	s21 =	sadd.s32 $0x5600, s31;
	[sflag:s14] =	ssyncadd.s32 $0xFFFFC000  }
0x30: {  	[hbm4b:s21+s3] =	stream.linear.scatter [tilespmem:s13], [sflag:$0x2], $0x4000, $0x38;
	[tilespmem:$0x10C00] =	vst v63  }
0x31: {  	_ =	swait.ge [sflag:s4], $0x4000  }
0x32: {  	[sflag:s4] =	ssyncset.done $0x0  }
0x33: {  	s22 =	sadd.s32 $0x380, s5;
	[sflag:s4] =	ssyncadd.s32 $0xFFFFC000  }
0x34: {  	[tilespmem:s13], [sflag:$0x1] =	stream.indirect.gather [hbm4b:s2+s6], $0x80, s22, s6, $0xb8;
	[tilespmem:$0x10C00] =	vst v63  }
0x35: {  	_ =	swait.ge [sflag:s14], $0x4000  }
0x36: {  	[sflag:s14] =	ssyncset.done $0x0  }
0x37: {  	s23 =	sadd.s32 $0x5E00, s31;
	[sflag:s14] =	ssyncadd.s32 $0xFFFFC000  }
0x38: {  	[hbm4b:s23+s3] =	stream.linear.scatter [tilespmem:s7], [sflag:$0x2], $0x4000, $0x38;
	[tilespmem:$0x10C00] =	vst v63  }
0x39: {  	_ =	swait.ge [sflag:s4], $0x4000  }
0x3a: {  	[sflag:s4] =	ssyncset.done $0x0  }
0x3b: {  	s24 =	sor.u32 $0x400, s5;
	[sflag:s4] =	ssyncadd.s32 $0xFFFFC000  }
0x3c: {  	[tilespmem:s7], [sflag:$0x1] =	stream.indirect.gather [hbm4b:s2+s6], $0x80, s24, s6, $0xb8;
	[tilespmem:$0x10C00] =	vst v63  }
0x3d: {  	_ =	swait.ge [sflag:s14], $0x4000  }
0x3e: {  	[sflag:s14] =	ssyncset.done $0x0  }
0x3f: {  	s25 =	sadd.s32 $0x6600, s31;
	[sflag:s14] =	ssyncadd.s32 $0xFFFFC000  }
0x40: {  	[hbm4b:s25+s3] =	stream.linear.scatter [tilespmem:s9], [sflag:$0x2], $0x4000, $0x38;
	[tilespmem:$0x10C00] =	vst v63  }
0x41: {  	_ =	swait.ge [sflag:s4], $0x4000  }
0x42: {  	[sflag:s4] =	ssyncset.done $0x0  }
0x43: {  	s26 =	sor.u32 $0x480, s5;
	[sflag:s4] =	ssyncadd.s32 $0xFFFFC000  }
0x44: {  	[tilespmem:s9], [sflag:$0x1] =	stream.indirect.gather [hbm4b:s2+s6], $0x80, s26, s6, $0xb8;
	[tilespmem:$0x10C00] =	vst v63  }
0x45: {  	_ =	swait.ge [sflag:s14], $0x4000  }
0x46: {  	[sflag:s14] =	ssyncset.done $0x0  }
0x47: {  	s28 =	sadd.s32 $0x6E00, s31;
	[sflag:s14] =	ssyncadd.s32 $0xFFFFC000  }
0x48: {  	[hbm4b:s28+s3] =	stream.linear.scatter [tilespmem:s11], [sflag:$0x2], $0x4000, $0x38;
	[tilespmem:$0x10C00] =	vst v63  }
0x49: {  	_ =	swait.ge [sflag:s4], $0x4000  }
0x4a: {  	[sflag:s4] =	ssyncset.done $0x0  }
0x4b: {  	[sflag:s4] =	ssyncadd.s32 $0xFFFFC000  }
0x4c: {  	_ =	swait.ge [sflag:s14], $0x4000  }
0x4d: {  	[sflag:s14] =	ssyncset.done $0x0  }
0x4e: {  	s29 =	sadd.s32 $0x7600, s31;
	[sflag:s14] =	ssyncadd.s32 $0xFFFFC000  }
0x4f: {  	[hbm4b:s29+s3] =	stream.linear.scatter [tilespmem:s13], [sflag:$0x2], $0x4000, $0x38;
	[tilespmem:$0x10C00] =	vst v63  }
0x50: {  	_ =	swait.ge [sflag:s4], $0x4000  }
0x51: {  	[sflag:s4] =	ssyncset.done $0x0  }
0x52: {  	[sflag:s4] =	ssyncadd.s32 $0xFFFFC000  }
0x53: {  	_ =	swait.ge [sflag:s14], $0x4000  }
0x54: {  	s1 =	ssub.s32 $0x2, s1;
	[sflag:s14] =	ssyncset.done $0x0  }
0x55: {  	s0 =	sshrl.u32 s1, $0x1;
	s30 =	sadd.s32 $0x7E00, s31;
	[sflag:s14] =	ssyncadd.s32 $0xFFFFC000  }
0x56: {  	[hbm4b:s30+s3] =	stream.linear.scatter [tilespmem:s7], [sflag:$0x2], $0x4000, $0x38;
	[tilespmem:$0x10C00] =	vst v63  }
0x57: {  	s0 =	ssub.s32 s1, s0;
	_ =	swait.ge [sflag:s4], $0x4000  }
0x58: {  	s0 =	smax.u32 s0, $0x1;
	[sflag:s4] =	ssyncset.done $0x0  }
0x59: {  	p0 =	sne.s32 s0, $0x1;
	[sflag:s4] =	ssyncadd.s32 $0xFFFFC000  }
.Ltmp0:
0x5a: {  	_ =	swait.ge [sflag:s14], $0x4000;
	(pc) =	sbr.rel @!p0 .LBB2_2-.Ltmp0, $4  }
0x5b: {  	[sflag:s14] =	ssyncset.done $0x0  }
0x5c: {  	s31 =	sadd.s32 $0x8600, s31;
	[sflag:s14] =	ssyncadd.s32 $0xFFFFC000  }
0x5d: {  	[hbm4b:s31+s3] =	stream.linear.scatter [tilespmem:s9], [sflag:$0x2], $0x4000, $0x38;
	[tilespmem:$0x10C00] =	vst v63  }
0x5e: {  	s1 =	sadd.s32 $0xFFFFFFFF, s0;
	_ =	swait.ge [sflag:s4], $0x4000  }
.LBB2_1:
0x5f: {  	[sflag:s4] =	ssyncset.done $0x0  }
0x60: {  	s0 =	rddreg [dreg:$0x3];
	[sflag:s4] =	ssyncadd.s32 $0xFFFFC000  }
0x61: {  	[tilespmem:s3], [sflag:$0x2] =	stream.linear.gather [hbm4b:s0+s3], $0xC00, $0x38;
	[tilespmem:$0x10C00] =	vst v63  }
0x62: {  	_ =	swait.ge [sflag:s4], $0xC00  }
0x63: {  	[sflag:s4] =	ssyncset.done $0x0  }
0x64: {  	[sflag:s4] =	ssyncadd.s32 $0xFFFFF400  }
0x65: {  	[tilespmem:s7], [sflag:$0x1] =	stream.indirect.gather [hbm4b:s2+s6], $0x80, s5, s6, $0xb8;
	[tilespmem:$0x10C00] =	vst v63  }
0x66: {  	_ = 	snop  }
0x67: {  	[tilespmem:s9], [sflag:$0x1] =	stream.indirect.gather [hbm4b:s2+s6], $0x80, s8, s6, $0xb8;
	[tilespmem:$0x10C00] =	vst v63  }
0x68: {  	_ = 	snop  }
0x69: {  	[tilespmem:s11], [sflag:$0x1] =	stream.indirect.gather [hbm4b:s2+s6], $0x80, s10, s6, $0xb8;
	[tilespmem:$0x10C00] =	vst v63  }
0x6a: {  	_ = 	snop  }
0x6b: {  	[tilespmem:s13], [sflag:$0x1] =	stream.indirect.gather [hbm4b:s2+s6], $0x80, s12, s6, $0xb8;
	[tilespmem:$0x10C00] =	vst v63  }
0x6c: {  	_ =	swait.ge [sflag:s14], $0x4000  }
0x6d: {  	[sflag:s14] =	ssyncset.done $0x0  }
0x6e: {  	[sflag:s14] =	ssyncadd.s32 $0xFFFFC000  }
0x6f: {  	[hbm4b:s15+s3] =	stream.linear.scatter [tilespmem:s7], [sflag:$0x2], $0x4000, $0x38;
	[tilespmem:$0x10C00] =	vst v63  }
0x70: {  	_ =	swait.ge [sflag:s4], $0x4000  }
0x71: {  	[sflag:s4] =	ssyncset.done $0x0  }
0x72: {  	[sflag:s4] =	ssyncadd.s32 $0xFFFFC000  }
0x73: {  	[tilespmem:s7], [sflag:$0x1] =	stream.indirect.gather [hbm4b:s2+s6], $0x80, s16, s6, $0xb8;
	[tilespmem:$0x10C00] =	vst v63  }
0x74: {  	_ =	swait.ge [sflag:s14], $0x4000  }
0x75: {  	[sflag:s14] =	ssyncset.done $0x0  }
0x76: {  	[sflag:s14] =	ssyncadd.s32 $0xFFFFC000  }
0x77: {  	[hbm4b:s17+s3] =	stream.linear.scatter [tilespmem:s9], [sflag:$0x2], $0x4000, $0x38;
	[tilespmem:$0x10C00] =	vst v63  }
0x78: {  	_ =	swait.ge [sflag:s4], $0x4000  }
0x79: {  	[sflag:s4] =	ssyncset.done $0x0  }
0x7a: {  	[sflag:s4] =	ssyncadd.s32 $0xFFFFC000  }
0x7b: {  	[tilespmem:s9], [sflag:$0x1] =	stream.indirect.gather [hbm4b:s2+s6], $0x80, s18, s6, $0xb8;
	[tilespmem:$0x10C00] =	vst v63  }
0x7c: {  	_ =	swait.ge [sflag:s14], $0x4000  }
0x7d: {  	[sflag:s14] =	ssyncset.done $0x0  }
0x7e: {  	[sflag:s14] =	ssyncadd.s32 $0xFFFFC000  }
0x7f: {  	[hbm4b:s19+s3] =	stream.linear.scatter [tilespmem:s11], [sflag:$0x2], $0x4000, $0x38;
	[tilespmem:$0x10C00] =	vst v63  }
0x80: {  	_ =	swait.ge [sflag:s4], $0x4000  }
0x81: {  	[sflag:s4] =	ssyncset.done $0x0  }
0x82: {  	[sflag:s4] =	ssyncadd.s32 $0xFFFFC000  }
0x83: {  	[tilespmem:s11], [sflag:$0x1] =	stream.indirect.gather [hbm4b:s2+s6], $0x80, s20, s6, $0xb8;
	[tilespmem:$0x10C00] =	vst v63  }
0x84: {  	_ =	swait.ge [sflag:s14], $0x4000  }
0x85: {  	[sflag:s14] =	ssyncset.done $0x0  }
0x86: {  	[sflag:s14] =	ssyncadd.s32 $0xFFFFC000  }
0x87: {  	[hbm4b:s21+s3] =	stream.linear.scatter [tilespmem:s13], [sflag:$0x2], $0x4000, $0x38;
	[tilespmem:$0x10C00] =	vst v63  }
0x88: {  	_ =	swait.ge [sflag:s4], $0x4000  }
0x89: {  	[sflag:s4] =	ssyncset.done $0x0  }
0x8a: {  	[sflag:s4] =	ssyncadd.s32 $0xFFFFC000  }
0x8b: {  	[tilespmem:s13], [sflag:$0x1] =	stream.indirect.gather [hbm4b:s2+s6], $0x80, s22, s6, $0xb8;
	[tilespmem:$0x10C00] =	vst v63  }
0x8c: {  	_ =	swait.ge [sflag:s14], $0x4000  }
0x8d: {  	[sflag:s14] =	ssyncset.done $0x0  }
0x8e: {  	[sflag:s14] =	ssyncadd.s32 $0xFFFFC000  }
0x8f: {  	[hbm4b:s23+s3] =	stream.linear.scatter [tilespmem:s7], [sflag:$0x2], $0x4000, $0x38;
	[tilespmem:$0x10C00] =	vst v63  }
0x90: {  	_ =	swait.ge [sflag:s4], $0x4000  }
0x91: {  	[sflag:s4] =	ssyncset.done $0x0  }
0x92: {  	[sflag:s4] =	ssyncadd.s32 $0xFFFFC000  }
0x93: {  	[tilespmem:s7], [sflag:$0x1] =	stream.indirect.gather [hbm4b:s2+s6], $0x80, s24, s6, $0xb8;
	[tilespmem:$0x10C00] =	vst v63  }
0x94: {  	_ =	swait.ge [sflag:s14], $0x4000  }
0x95: {  	[sflag:s14] =	ssyncset.done $0x0  }
0x96: {  	[sflag:s14] =	ssyncadd.s32 $0xFFFFC000  }
0x97: {  	[hbm4b:s25+s3] =	stream.linear.scatter [tilespmem:s9], [sflag:$0x2], $0x4000, $0x38;
	[tilespmem:$0x10C00] =	vst v63  }
0x98: {  	_ =	swait.ge [sflag:s4], $0x4000  }
0x99: {  	[sflag:s4] =	ssyncset.done $0x0  }
0x9a: {  	[sflag:s4] =	ssyncadd.s32 $0xFFFFC000  }
0x9b: {  	[tilespmem:s9], [sflag:$0x1] =	stream.indirect.gather [hbm4b:s2+s6], $0x80, s26, s6, $0xb8;
	[tilespmem:$0x10C00] =	vst v63  }
0x9c: {  	_ =	swait.ge [sflag:s14], $0x4000  }
0x9d: {  	[sflag:s14] =	ssyncset.done $0x0  }
0x9e: {  	[sflag:s14] =	ssyncadd.s32 $0xFFFFC000  }
0x9f: {  	[hbm4b:s28+s3] =	stream.linear.scatter [tilespmem:s11], [sflag:$0x2], $0x4000, $0x38;
	[tilespmem:$0x10C00] =	vst v63  }
0xa0: {  	_ =	swait.ge [sflag:s4], $0x4000  }
0xa1: {  	[sflag:s4] =	ssyncset.done $0x0  }
0xa2: {  	[sflag:s4] =	ssyncadd.s32 $0xFFFFC000  }
0xa3: {  	_ =	swait.ge [sflag:s14], $0x4000  }
0xa4: {  	[sflag:s14] =	ssyncset.done $0x0  }
0xa5: {  	[sflag:s14] =	ssyncadd.s32 $0xFFFFC000  }
0xa6: {  	[hbm4b:s29+s3] =	stream.linear.scatter [tilespmem:s13], [sflag:$0x2], $0x4000, $0x38;
	[tilespmem:$0x10C00] =	vst v63  }
0xa7: {  	_ =	swait.ge [sflag:s4], $0x4000  }
0xa8: {  	[sflag:s4] =	ssyncset.done $0x0  }
0xa9: {  	[sflag:s4] =	ssyncadd.s32 $0xFFFFC000  }
0xaa: {  	_ =	swait.ge [sflag:s14], $0x4000  }
0xab: {  	[sflag:s14] =	ssyncset.done $0x0  }
0xac: {  	[sflag:s14] =	ssyncadd.s32 $0xFFFFC000  }
0xad: {  	[hbm4b:s30+s3] =	stream.linear.scatter [tilespmem:s7], [sflag:$0x2], $0x4000, $0x38;
	[tilespmem:$0x10C00] =	vst v63  }
0xae: {  	_ =	swait.ge [sflag:s4], $0x4000  }
0xaf: {  	[sflag:s4] =	ssyncset.done $0x0  }
0xb0: {  	p0 =	sne.s32 s1, $0x1;
	[sflag:s4] =	ssyncadd.s32 $0xFFFFC000  }
.Ltmp1:
0xb1: {  	_ =	swait.ge [sflag:s14], $0x4000;
	(pc) =	sbr.rel @p0 .LBB2_1-.Ltmp1, $4  }
0xb2: {  	[sflag:s14] =	ssyncset.done $0x0  }
0xb3: {  	[sflag:s14] =	ssyncadd.s32 $0xFFFFC000  }
0xb4: {  	[hbm4b:s31+s3] =	stream.linear.scatter [tilespmem:s9], [sflag:$0x2], $0x4000, $0x38;
	[tilespmem:$0x10C00] =	vst v63  }
0xb5: {  	s1 =	sadd.s32 $0xFFFFFFFF, s1;
	_ =	swait.ge [sflag:s4], $0x4000  }
.LBB2_2:
0xb6: {  	[sflag:s4] =	ssyncset.done $0x0  }
0xb7: {  	[sflag:s4] =	ssyncadd.s32 $0xFFFFC000  }
0xb8: {  	_ =	sfence.sel $0x180000  }
0xb9: {  	[bflag:$0x0] =	sbarrier.arrive $0xFFFF  }
0xba: {  	_ =	strace $0x90000047  }
0xbb: {  	s0 =	stileid.u32;
	[bflag:$0x2] =	sbarrier.arrive $0xFFFF  }
0xbc: {  	p0 =	sne.s32 s0, $0x0;
	s0 =	rddreg [dreg:$0x2]  }
0xbd: {  	s0 =	sadd.s32 @!p0 $0x100000, s0  }
0xbe: {  	[sflag:s0] =	ssyncadd.tile.s32 @!p0 $0x1;
	_ =	shalt  }
.Lfunc_end2:
_tile_overlayer_lowered:
.L_overlay_start_2:
0xbf: {  	(tag) =	ssettag $0x2  }
0xc0: {  	s0 =	rddreg [dreg:$0x0];
	s2 =	stileid.u32  }
0xc1: {  	s1 =	rddreg [dreg:$0x1];
	p0 =	sne.s32 s2, $0x0  }
0xc2: {  	s3 =	rddreg [dreg:$0x2];
	[bflag:$0x3] =	sbarrier.arrive $0xFFFF;
	s2 =	simm.s32 @!p0 $0x1C02  }
0xc3: {  	[timem:s3], [sflag:s2] =	dma.local @!p0 [hbm:s0], s1  }
0xc4: {  	s0 =	simm.s32 @!p0 $0x2  }
0xc5: {  	_ =	swait.ge @!p0 [sflag:s0], s1  }
0xc6: {  	s1 =	ssub.s32 @!p0 $0x0, s1;
	[sflag:s0] =	ssyncset.done @!p0 $0x0  }
0xc7: {  	[sflag:s0] =	ssyncadd.s32 @!p0 s1  }
0xc8: {  	[bflag:$0x3] =	sbarrier.arrive $0xFFFF  }
0xc9: {  	_ =	shalt  }

</sc_bundles>
